<compile_context>
chip_gen: v7x
topology: tpu7x:2x2x1
jax: 0.10.2.dev20260603
libtpu: 0.0.44.dev20260713+nightly
codegen_flags: <defaults>
</compile_context>

<pallas_src>
import functools
import jax
import jax.numpy as jnp
from jax import lax
from jax.experimental import pallas as pl
from jax.experimental.pallas import tpu as pltpu
from jax.experimental.pallas import tpu_sc as plsc

_D = 32
_DP = 128
_B = 16384
_NC = 2
_NS = 16
_NW = _NC * _NS
_BPW = _B // _NW

_mesh = plsc.VectorSubcoreMesh(core_axis_name="c", subcore_axis_name="s")


@functools.partial(
    pl.kernel,
    mesh=_mesh,
    out_type=jax.ShapeDtypeStruct((_B, 2 * _D), jnp.float32),
    scratch_types=[
        pltpu.VMEM((_BPW,), jnp.int32),
        pltpu.VMEM((_BPW,), jnp.int32),
        pltpu.VMEM((2, _BPW // 4, _DP), jnp.float32),
        pltpu.VMEM((_BPW, 2 * _D), jnp.float32),
        pltpu.SemaphoreType.DMA,
        pltpu.SemaphoreType.DMA,
    ],
)
def _gather_rows(table_hbm, idx_hbm, out_hbm, idx0_v, idx1_v, rows_v, cmp_v, s0, s1):
    wid = lax.axis_index("s") * _NC + lax.axis_index("c")
    base = wid * _BPW
    quarter = _BPW // 4
    pltpu.sync_copy(idx_hbm.at[0, pl.ds(base, _BPW)], idx0_v)
    pltpu.sync_copy(idx_hbm.at[1, pl.ds(base, _BPW)], idx1_v)
    sems = (s0, s1)

    def compact(slot, row_off, dst_off):
        @plsc.parallel_loop(0, quarter, unroll=8)
        def _(r):
            for h in (0, 1):
                cmp_v[row_off + r, pl.ds(dst_off + h * 16, 16)] = rows_v[
                    slot, r, pl.ds(h * 16, 16)
                ]

    chunks = [
        (idx_v, c, a * _D)
        for a, idx_v in ((0, idx0_v), (1, idx1_v))
        for c in (0, 1, 2, 3)
    ]

    def gather(i, slot):
        idx_v, c, _ = chunks[i]
        return pltpu.make_async_copy(
            table_hbm.at[idx_v.at[pl.ds(c * quarter, quarter)]], rows_v.at[slot], sems[slot]
        )

    gather(0, 0).start()
    for i in range(8):
        slot = i % 2
        gather(i, slot).wait()
        if i + 1 < 8:
            gather(i + 1, 1 - slot).start()
        _, c, dst = chunks[i]
        compact(slot, c * quarter, dst)
    pltpu.sync_copy(cmp_v, out_hbm.at[pl.ds(base, _BPW), :])


def kernel(action_indices, embedding_table):
    table_p = jnp.pad(embedding_table, ((0, 0), (0, _DP - _D)))
    idx_t = action_indices.astype(jnp.int32).T
    return _gather_rows(table_p, idx_t)

# --- scband reference (transcript-rebuilt; emitter-appended) ---
"""Pipeline reference for scband-action-embedding-33260226740611 (READ-ONLY COPY).

The authoritative reference and input builder live on the scoring server;
editing this copy changes nothing except your own understanding.
"""

import jax, jax.numpy as jnp
import numpy as np

NUM_ACTIONS = 100000
EMBED_DIM = 32
BATCH = 16384

def setup_inputs(seed: int = 0) -> dict:
    key = jax.random.key(seed)
    k1, k2 = jax.random.split(key)
    action_indices = jax.random.randint(k1, (BATCH, 2), 0, NUM_ACTIONS, dtype=jnp.int64 if jax.config.jax_enable_x64 else jnp.int32)
    # nn.Embedding default init: N(0, 1)
    embedding_table = jax.random.normal(k2, (NUM_ACTIONS, EMBED_DIM), dtype=jnp.float32)
    return {"action_indices": action_indices, "embedding_table": embedding_table}

def reference(action_indices, embedding_table):
    agent1_embedding = jnp.take(embedding_table, action_indices[:, 0], axis=0)
    agent2_embedding = jnp.take(embedding_table, action_indices[:, 1], axis=0)
    joint_embedding = jnp.concatenate([agent1_embedding, agent2_embedding], axis=1)
    return joint_embedding

if __name__ == "__main__":
    import jax
    _d = setup_inputs()
    print(jax.jit(kernel)(*tuple(_d.values())))

</pallas_src>

<mosaic_0001>
#map = affine_map<(d0, d1) -> (0, 0)>
module attributes {stable_mosaic.version = 14 : i64} {
  func.func @_gather_rows(%arg0: i32, %arg1: i32, %arg2: memref<100000x128xf32, #tpu.memory_space<hbm>>, %arg3: memref<2x16384xi32, #tpu.memory_space<hbm>>, %arg4: memref<16384x64xf32, #tpu.memory_space<hbm>>, %arg5: memref<512xi32, #tpu.memory_space<vmem>>, %arg6: memref<512xi32, #tpu.memory_space<vmem>>, %arg7: memref<2x128x128xf32, #tpu.memory_space<vmem>>, %arg8: memref<512x64xf32, #tpu.memory_space<vmem>>, %arg9: memref<!tpu.dma_semaphore, #tpu.memory_space<semaphore_mem>>, %arg10: memref<!tpu.dma_semaphore, #tpu.memory_space<semaphore_mem>>) attributes {dimension_semantics = [#tpu.dimension_semantics<core_parallel>, #tpu.dimension_semantics<subcore_parallel>], iteration_bounds = array<i64: 2, 16>, scalar_prefetch = 0 : i64, scratch_operands = 6 : i64, tpu.core_type = #tpu.core_type<sc_vector_subcore>, window_params = [{transform_indices = #map}, {transform_indices = #map}, {transform_indices = #map}]} {
    %mul3A = arith.constant 2 : i32
    %mul3A_0 = arith.muli %arg1, %mul3A : i32
    %add3A = arith.addi %mul3A_0, %arg0 : i32
    %mul3A_1 = arith.constant 512 : i32
    %mul3A_2 = arith.muli %add3A, %mul3A_1 : i32
    %run_scoped3A = arith.constant 0 : i32
    "tpu.region"() ({
      %run_scoped3A_185 = tpu.sem_alloc : memref<!tpu.dma_semaphore, #tpu.memory_space<semaphore_mem>>
      %dma_start3A_186 = tpu.memref_slice %arg3[%run_scoped3A, %mul3A_2] : memref<2x16384xi32, #tpu.memory_space<hbm>> -> memref<1x512xi32, #tpu.memory_space<hbm>>
      %dma_start3A_187 = tpu.memref_squeeze %dma_start3A_186 : memref<1x512xi32, #tpu.memory_space<hbm>> -> memref<512xi32, #tpu.memory_space<hbm>>
      %dma_start3A_188 = tpu.memref_slice %arg3[%run_scoped3A, %mul3A_2] : memref<2x16384xi32, #tpu.memory_space<hbm>> -> memref<1x512xi32, #tpu.memory_space<hbm>>
      %dma_start3A_189 = tpu.memref_squeeze %dma_start3A_188 : memref<1x512xi32, #tpu.memory_space<hbm>> -> memref<512xi32, #tpu.memory_space<hbm>>
      tpu.enqueue_dma source(%dma_start3A_189 : memref<512xi32, #tpu.memory_space<hbm>>) target(%arg5 : memref<512xi32, #tpu.memory_space<vmem>>) target_semaphore(%run_scoped3A_185 : memref<!tpu.dma_semaphore, #tpu.memory_space<semaphore_mem>>)
      %dma_wait3A_190 = tpu.memref_slice %arg3[%run_scoped3A, %mul3A_2] : memref<2x16384xi32, #tpu.memory_space<hbm>> -> memref<1x512xi32, #tpu.memory_space<hbm>>
      %dma_wait3A_191 = tpu.memref_squeeze %dma_wait3A_190 : memref<1x512xi32, #tpu.memory_space<hbm>> -> memref<512xi32, #tpu.memory_space<hbm>>
      %dma_wait3A_192 = tpu.memref_slice %arg3[%run_scoped3A, %mul3A_2] : memref<2x16384xi32, #tpu.memory_space<hbm>> -> memref<1x512xi32, #tpu.memory_space<hbm>>
      %dma_wait3A_193 = tpu.memref_squeeze %dma_wait3A_192 : memref<1x512xi32, #tpu.memory_space<hbm>> -> memref<512xi32, #tpu.memory_space<hbm>>
      tpu.wait_dma2 semaphore(%run_scoped3A_185 : memref<!tpu.dma_semaphore, #tpu.memory_space<semaphore_mem>>) src(%dma_wait3A_193 : memref<512xi32, #tpu.memory_space<hbm>>) dst(%arg5 : memref<512xi32, #tpu.memory_space<vmem>>)
      tpu.yield
    }) : () -> ()
    %run_scoped3A_3 = arith.constant 1 : i32
    "tpu.region"() ({
      %run_scoped3A_185 = tpu.sem_alloc : memref<!tpu.dma_semaphore, #tpu.memory_space<semaphore_mem>>
      %dma_start3A_186 = tpu.memref_slice %arg3[%run_scoped3A_3, %mul3A_2] : memref<2x16384xi32, #tpu.memory_space<hbm>> -> memref<1x512xi32, #tpu.memory_space<hbm>>
      %dma_start3A_187 = tpu.memref_squeeze %dma_start3A_186 : memref<1x512xi32, #tpu.memory_space<hbm>> -> memref<512xi32, #tpu.memory_space<hbm>>
      %dma_start3A_188 = tpu.memref_slice %arg3[%run_scoped3A_3, %mul3A_2] : memref<2x16384xi32, #tpu.memory_space<hbm>> -> memref<1x512xi32, #tpu.memory_space<hbm>>
      %dma_start3A_189 = tpu.memref_squeeze %dma_start3A_188 : memref<1x512xi32, #tpu.memory_space<hbm>> -> memref<512xi32, #tpu.memory_space<hbm>>
      tpu.enqueue_dma source(%dma_start3A_189 : memref<512xi32, #tpu.memory_space<hbm>>) target(%arg6 : memref<512xi32, #tpu.memory_space<vmem>>) target_semaphore(%run_scoped3A_185 : memref<!tpu.dma_semaphore, #tpu.memory_space<semaphore_mem>>)
      %dma_wait3A_190 = tpu.memref_slice %arg3[%run_scoped3A_3, %mul3A_2] : memref<2x16384xi32, #tpu.memory_space<hbm>> -> memref<1x512xi32, #tpu.memory_space<hbm>>
      %dma_wait3A_191 = tpu.memref_squeeze %dma_wait3A_190 : memref<1x512xi32, #tpu.memory_space<hbm>> -> memref<512xi32, #tpu.memory_space<hbm>>
      %dma_wait3A_192 = tpu.memref_slice %arg3[%run_scoped3A_3, %mul3A_2] : memref<2x16384xi32, #tpu.memory_space<hbm>> -> memref<1x512xi32, #tpu.memory_space<hbm>>
      %dma_wait3A_193 = tpu.memref_squeeze %dma_wait3A_192 : memref<1x512xi32, #tpu.memory_space<hbm>> -> memref<512xi32, #tpu.memory_space<hbm>>
      tpu.wait_dma2 semaphore(%run_scoped3A_185 : memref<!tpu.dma_semaphore, #tpu.memory_space<semaphore_mem>>) src(%dma_wait3A_193 : memref<512xi32, #tpu.memory_space<hbm>>) dst(%arg6 : memref<512xi32, #tpu.memory_space<vmem>>)
      tpu.yield
    }) : () -> ()
    %dma_start3A = arith.constant 0 : i32
    %dma_start3A_4 = arith.constant 0 : i32
    %dma_start3A_5 = arith.constant 0 : i32
    %dma_start3A_6 = tpu.memref_slice %arg7[%dma_start3A, %dma_start3A_4, %dma_start3A_5] : memref<2x128x128xf32, #tpu.memory_space<vmem>> -> memref<1x128x128xf32, #tpu.memory_space<vmem>>
    %dma_start3A_7 = tpu.memref_squeeze %dma_start3A_6 : memref<1x128x128xf32, #tpu.memory_space<vmem>> -> memref<128x128xf32, #tpu.memory_space<vmem>>
    %dma_start3A_8 = arith.constant 0 : i32
    %dma_start3A_9 = tpu.memref_slice %arg5[%dma_start3A_8] : memref<512xi32, #tpu.memory_space<vmem>> -> memref<128xi32, #tpu.memory_space<vmem>>
    %dma_start3A_10 = arith.constant 0 : i32
    %dma_start3A_11 = arith.constant 0 : i32
    %dma_start3A_12 = tpu.memref_slice %arg2[%dma_start3A_10, %dma_start3A_11] : memref<100000x128xf32, #tpu.memory_space<hbm>> -> memref<100000x128xf32, #tpu.memory_space<hbm>>
    tpu.enqueue_indirect_dma source(%dma_start3A_12 : memref<100000x128xf32, #tpu.memory_space<hbm>>) target(%dma_start3A_7 : memref<128x128xf32, #tpu.memory_space<vmem>>) offsets(%dma_start3A_9 : memref<128xi32, #tpu.memory_space<vmem>>) semaphore(%arg9 : memref<!tpu.dma_semaphore, #tpu.memory_space<semaphore_mem>>)
    %dma_wait3A = arith.constant 0 : i32
    %dma_wait3A_13 = arith.constant 0 : i32
    %dma_wait3A_14 = arith.constant 0 : i32
    %dma_wait3A_15 = tpu.memref_slice %arg7[%dma_wait3A, %dma_wait3A_13, %dma_wait3A_14] : memref<2x128x128xf32, #tpu.memory_space<vmem>> -> memref<1x128x128xf32, #tpu.memory_space<vmem>>
    %dma_wait3A_16 = tpu.memref_squeeze %dma_wait3A_15 : memref<1x128x128xf32, #tpu.memory_space<vmem>> -> memref<128x128xf32, #tpu.memory_space<vmem>>
    %dma_wait3A_17 = arith.constant 0 : i32
    %dma_wait3A_18 = tpu.memref_slice %arg5[%dma_wait3A_17] : memref<512xi32, #tpu.memory_space<vmem>> -> memref<128xi32, #tpu.memory_space<vmem>>
    %dma_wait3A_19 = arith.constant 0 : i32
    %dma_wait3A_20 = arith.constant 0 : i32
    %dma_wait3A_21 = tpu.memref_slice %arg2[%dma_wait3A_19, %dma_wait3A_20] : memref<100000x128xf32, #tpu.memory_space<hbm>> -> memref<100000x128xf32, #tpu.memory_space<hbm>>
    tpu.wait_indirect_dma semaphore(%arg9 : memref<!tpu.dma_semaphore, #tpu.memory_space<semaphore_mem>>) src(%dma_wait3A_21 : memref<100000x128xf32, #tpu.memory_space<hbm>>) dst(%dma_wait3A_16 : memref<128x128xf32, #tpu.memory_space<vmem>>)
    %dma_start3A_22 = arith.constant 1 : i32
    %dma_start3A_23 = arith.constant 0 : i32
    %dma_start3A_24 = arith.constant 0 : i32
    %dma_start3A_25 = tpu.memref_slice %arg7[%dma_start3A_22, %dma_start3A_23, %dma_start3A_24] : memref<2x128x128xf32, #tpu.memory_space<vmem>> -> memref<1x128x128xf32, #tpu.memory_space<vmem>>
    %dma_start3A_26 = tpu.memref_squeeze %dma_start3A_25 : memref<1x128x128xf32, #tpu.memory_space<vmem>> -> memref<128x128xf32, #tpu.memory_space<vmem>>
    %dma_start3A_27 = arith.constant 128 : i32
    %dma_start3A_28 = tpu.memref_slice %arg5[%dma_start3A_27] : memref<512xi32, #tpu.memory_space<vmem>> -> memref<128xi32, #tpu.memory_space<vmem>>
    %dma_start3A_29 = arith.constant 0 : i32
    %dma_start3A_30 = arith.constant 0 : i32
    %dma_start3A_31 = tpu.memref_slice %arg2[%dma_start3A_29, %dma_start3A_30] : memref<100000x128xf32, #tpu.memory_space<hbm>> -> memref<100000x128xf32, #tpu.memory_space<hbm>>
    tpu.enqueue_indirect_dma source(%dma_start3A_31 : memref<100000x128xf32, #tpu.memory_space<hbm>>) target(%dma_start3A_26 : memref<128x128xf32, #tpu.memory_space<vmem>>) offsets(%dma_start3A_28 : memref<128xi32, #tpu.memory_space<vmem>>) semaphore(%arg10 : memref<!tpu.dma_semaphore, #tpu.memory_space<semaphore_mem>>)
    %parallel_loop3A = arith.constant 0 : i32
    %parallel_loop3A_32 = arith.constant 128 : i32
    %parallel_loop3A_33 = arith.constant 1 : i32
    scf.for %parallel_loop3A_185 = %parallel_loop3A to %parallel_loop3A_32 step %parallel_loop3A_33  : i32 {
      %parallel_loop3A_186 = arith.constant 0 : i32
      %parallel_loop3A_187 = arith.index_cast %parallel_loop3A_186 : i32 to index
      %parallel_loop3A_188 = arith.index_cast %parallel_loop3A_185 : i32 to index
      %parallel_loop3A_189 = arith.constant 0 : index
      %parallel_loop3A_190 = tpu.vector_load %arg7[%parallel_loop3A_187, %parallel_loop3A_188, %parallel_loop3A_189] {strides = array<i32>} : memref<2x128x128xf32, #tpu.memory_space<vmem>>, vector<1x1x16xf32>,
      %parallel_loop3A_191 = vector.shape_cast %parallel_loop3A_190 : vector<1x1x16xf32> to vector<16xf32>
      %parallel_loop3A_192 = arith.constant 0 : i32
      %parallel_loop3A_193 = arith.addi %parallel_loop3A_192, %parallel_loop3A_185 : i32
      %parallel_loop3A_194 = arith.index_cast %parallel_loop3A_193 : i32 to index
      %parallel_loop3A_195 = arith.constant 0 : index
      %parallel_loop3A_196 = tpu.vector_load %arg8[%parallel_loop3A_194, %parallel_loop3A_195] {strides = array<i32>} : memref<512x64xf32, #tpu.memory_space<vmem>>, vector<1x16xf32>,
      %parallel_loop3A_197 = vector.shape_cast %parallel_loop3A_196 : vector<1x16xf32> to vector<16xf32>
      %parallel_loop3A_198 = vector.shape_cast %parallel_loop3A_191 : vector<16xf32> to vector<1x16xf32>
      tpu.vector_store %arg8[%parallel_loop3A_194, %parallel_loop3A_195], %parallel_loop3A_198 {strides = array<i32>} : memref<512x64xf32, #tpu.memory_space<vmem>>, vector<1x16xf32>,
      %parallel_loop3A_199 = arith.constant 0 : i32
      %parallel_loop3A_200 = arith.index_cast %parallel_loop3A_199 : i32 to index
      %parallel_loop3A_201 = arith.index_cast %parallel_loop3A_185 : i32 to index
      %parallel_loop3A_202 = arith.constant 16 : index
      %parallel_loop3A_203 = tpu.vector_load %arg7[%parallel_loop3A_200, %parallel_loop3A_201, %parallel_loop3A_202] {strides = array<i32>} : memref<2x128x128xf32, #tpu.memory_space<vmem>>, vector<1x1x16xf32>,
      %parallel_loop3A_204 = vector.shape_cast %parallel_loop3A_203 : vector<1x1x16xf32> to vector<16xf32>
      %parallel_loop3A_205 = arith.constant 0 : i32
      %parallel_loop3A_206 = arith.addi %parallel_loop3A_205, %parallel_loop3A_185 : i32
      %parallel_loop3A_207 = arith.index_cast %parallel_loop3A_206 : i32 to index
      %parallel_loop3A_208 = arith.constant 16 : index
      %parallel_loop3A_209 = tpu.vector_load %arg8[%parallel_loop3A_207, %parallel_loop3A_208] {strides = array<i32>} : memref<512x64xf32, #tpu.memory_space<vmem>>, vector<1x16xf32>,
      %parallel_loop3A_210 = vector.shape_cast %parallel_loop3A_209 : vector<1x16xf32> to vector<16xf32>
      %parallel_loop3A_211 = vector.shape_cast %parallel_loop3A_204 : vector<16xf32> to vector<1x16xf32>
      tpu.vector_store %arg8[%parallel_loop3A_207, %parallel_loop3A_208], %parallel_loop3A_211 {strides = array<i32>} : memref<512x64xf32, #tpu.memory_space<vmem>>, vector<1x16xf32>,
    } {sc.loop_unroll_factor = 8 : i64, sc.parallel_access}
    %dma_wait3A_34 = arith.constant 1 : i32
    %dma_wait3A_35 = arith.constant 0 : i32
    %dma_wait3A_36 = arith.constant 0 : i32
    %dma_wait3A_37 = tpu.memref_slice %arg7[%dma_wait3A_34, %dma_wait3A_35, %dma_wait3A_36] : memref<2x128x128xf32, #tpu.memory_space<vmem>> -> memref<1x128x128xf32, #tpu.memory_space<vmem>>
    %dma_wait3A_38 = tpu.memref_squeeze %dma_wait3A_37 : memref<1x128x128xf32, #tpu.memory_space<vmem>> -> memref<128x128xf32, #tpu.memory_space<vmem>>
    %dma_wait3A_39 = arith.constant 128 : i32
    %dma_wait3A_40 = tpu.memref_slice %arg5[%dma_wait3A_39] : memref<512xi32, #tpu.memory_space<vmem>> -> memref<128xi32, #tpu.memory_space<vmem>>
    %dma_wait3A_41 = arith.constant 0 : i32
    %dma_wait3A_42 = arith.constant 0 : i32
    %dma_wait3A_43 = tpu.memref_slice %arg2[%dma_wait3A_41, %dma_wait3A_42] : memref<100000x128xf32, #tpu.memory_space<hbm>> -> memref<100000x128xf32, #tpu.memory_space<hbm>>
    tpu.wait_indirect_dma semaphore(%arg10 : memref<!tpu.dma_semaphore, #tpu.memory_space<semaphore_mem>>) src(%dma_wait3A_43 : memref<100000x128xf32, #tpu.memory_space<hbm>>) dst(%dma_wait3A_38 : memref<128x128xf32, #tpu.memory_space<vmem>>)
    %dma_start3A_44 = arith.constant 0 : i32
    %dma_start3A_45 = arith.constant 0 : i32
    %dma_start3A_46 = arith.constant 0 : i32
    %dma_start3A_47 = tpu.memref_slice %arg7[%dma_start3A_44, %dma_start3A_45, %dma_start3A_46] : memref<2x128x128xf32, #tpu.memory_space<vmem>> -> memref<1x128x128xf32, #tpu.memory_space<vmem>>
    %dma_start3A_48 = tpu.memref_squeeze %dma_start3A_47 : memref<1x128x128xf32, #tpu.memory_space<vmem>> -> memref<128x128xf32, #tpu.memory_space<vmem>>
    %dma_start3A_49 = arith.constant 256 : i32
    %dma_start3A_50 = tpu.memref_slice %arg5[%dma_start3A_49] : memref<512xi32, #tpu.memory_space<vmem>> -> memref<128xi32, #tpu.memory_space<vmem>>
    %dma_start3A_51 = arith.constant 0 : i32
    %dma_start3A_52 = arith.constant 0 : i32
    %dma_start3A_53 = tpu.memref_slice %arg2[%dma_start3A_51, %dma_start3A_52] : memref<100000x128xf32, #tpu.memory_space<hbm>> -> memref<100000x128xf32, #tpu.memory_space<hbm>>
    tpu.enqueue_indirect_dma source(%dma_start3A_53 : memref<100000x128xf32, #tpu.memory_space<hbm>>) target(%dma_start3A_48 : memref<128x128xf32, #tpu.memory_space<vmem>>) offsets(%dma_start3A_50 : memref<128xi32, #tpu.memory_space<vmem>>) semaphore(%arg9 : memref<!tpu.dma_semaphore, #tpu.memory_space<semaphore_mem>>)
    %parallel_loop3A_54 = arith.constant 0 : i32
    %parallel_loop3A_55 = arith.constant 128 : i32
    %parallel_loop3A_56 = arith.constant 1 : i32
    scf.for %parallel_loop3A_185 = %parallel_loop3A_54 to %parallel_loop3A_55 step %parallel_loop3A_56  : i32 {
      %parallel_loop3A_186 = arith.constant 1 : i32
      %parallel_loop3A_187 = arith.index_cast %parallel_loop3A_186 : i32 to index
      %parallel_loop3A_188 = arith.index_cast %parallel_loop3A_185 : i32 to index
      %parallel_loop3A_189 = arith.constant 0 : index
      %parallel_loop3A_190 = tpu.vector_load %arg7[%parallel_loop3A_187, %parallel_loop3A_188, %parallel_loop3A_189] {strides = array<i32>} : memref<2x128x128xf32, #tpu.memory_space<vmem>>, vector<1x1x16xf32>,
      %parallel_loop3A_191 = vector.shape_cast %parallel_loop3A_190 : vector<1x1x16xf32> to vector<16xf32>
      %parallel_loop3A_192 = arith.constant 128 : i32
      %parallel_loop3A_193 = arith.addi %parallel_loop3A_192, %parallel_loop3A_185 : i32
      %parallel_loop3A_194 = arith.index_cast %parallel_loop3A_193 : i32 to index
      %parallel_loop3A_195 = arith.constant 0 : index
      %parallel_loop3A_196 = tpu.vector_load %arg8[%parallel_loop3A_194, %parallel_loop3A_195] {strides = array<i32>} : memref<512x64xf32, #tpu.memory_space<vmem>>, vector<1x16xf32>,
      %parallel_loop3A_197 = vector.shape_cast %parallel_loop3A_196 : vector<1x16xf32> to vector<16xf32>
      %parallel_loop3A_198 = vector.shape_cast %parallel_loop3A_191 : vector<16xf32> to vector<1x16xf32>
      tpu.vector_store %arg8[%parallel_loop3A_194, %parallel_loop3A_195], %parallel_loop3A_198 {strides = array<i32>} : memref<512x64xf32, #tpu.memory_space<vmem>>, vector<1x16xf32>,
      %parallel_loop3A_199 = arith.constant 1 : i32
      %parallel_loop3A_200 = arith.index_cast %parallel_loop3A_199 : i32 to index
      %parallel_loop3A_201 = arith.index_cast %parallel_loop3A_185 : i32 to index
      %parallel_loop3A_202 = arith.constant 16 : index
      %parallel_loop3A_203 = tpu.vector_load %arg7[%parallel_loop3A_200, %parallel_loop3A_201, %parallel_loop3A_202] {strides = array<i32>} : memref<2x128x128xf32, #tpu.memory_space<vmem>>, vector<1x1x16xf32>,
      %parallel_loop3A_204 = vector.shape_cast %parallel_loop3A_203 : vector<1x1x16xf32> to vector<16xf32>
      %parallel_loop3A_205 = arith.constant 128 : i32
      %parallel_loop3A_206 = arith.addi %parallel_loop3A_205, %parallel_loop3A_185 : i32
      %parallel_loop3A_207 = arith.index_cast %parallel_loop3A_206 : i32 to index
      %parallel_loop3A_208 = arith.constant 16 : index
      %parallel_loop3A_209 = tpu.vector_load %arg8[%parallel_loop3A_207, %parallel_loop3A_208] {strides = array<i32>} : memref<512x64xf32, #tpu.memory_space<vmem>>, vector<1x16xf32>,
      %parallel_loop3A_210 = vector.shape_cast %parallel_loop3A_209 : vector<1x16xf32> to vector<16xf32>
      %parallel_loop3A_211 = vector.shape_cast %parallel_loop3A_204 : vector<16xf32> to vector<1x16xf32>
      tpu.vector_store %arg8[%parallel_loop3A_207, %parallel_loop3A_208], %parallel_loop3A_211 {strides = array<i32>} : memref<512x64xf32, #tpu.memory_space<vmem>>, vector<1x16xf32>,
    } {sc.loop_unroll_factor = 8 : i64, sc.parallel_access}
    %dma_wait3A_57 = arith.constant 0 : i32
    %dma_wait3A_58 = arith.constant 0 : i32
    %dma_wait3A_59 = arith.constant 0 : i32
    %dma_wait3A_60 = tpu.memref_slice %arg7[%dma_wait3A_57, %dma_wait3A_58, %dma_wait3A_59] : memref<2x128x128xf32, #tpu.memory_space<vmem>> -> memref<1x128x128xf32, #tpu.memory_space<vmem>>
    %dma_wait3A_61 = tpu.memref_squeeze %dma_wait3A_60 : memref<1x128x128xf32, #tpu.memory_space<vmem>> -> memref<128x128xf32, #tpu.memory_space<vmem>>
    %dma_wait3A_62 = arith.constant 256 : i32
    %dma_wait3A_63 = tpu.memref_slice %arg5[%dma_wait3A_62] : memref<512xi32, #tpu.memory_space<vmem>> -> memref<128xi32, #tpu.memory_space<vmem>>
    %dma_wait3A_64 = arith.constant 0 : i32
    %dma_wait3A_65 = arith.constant 0 : i32
    %dma_wait3A_66 = tpu.memref_slice %arg2[%dma_wait3A_64, %dma_wait3A_65] : memref<100000x128xf32, #tpu.memory_space<hbm>> -> memref<100000x128xf32, #tpu.memory_space<hbm>>
    tpu.wait_indirect_dma semaphore(%arg9 : memref<!tpu.dma_semaphore, #tpu.memory_space<semaphore_mem>>) src(%dma_wait3A_66 : memref<100000x128xf32, #tpu.memory_space<hbm>>) dst(%dma_wait3A_61 : memref<128x128xf32, #tpu.memory_space<vmem>>)
    %dma_start3A_67 = arith.constant 1 : i32
    %dma_start3A_68 = arith.constant 0 : i32
    %dma_start3A_69 = arith.constant 0 : i32
    %dma_start3A_70 = tpu.memref_slice %arg7[%dma_start3A_67, %dma_start3A_68, %dma_start3A_69] : memref<2x128x128xf32, #tpu.memory_space<vmem>> -> memref<1x128x128xf32, #tpu.memory_space<vmem>>
    %dma_start3A_71 = tpu.memref_squeeze %dma_start3A_70 : memref<1x128x128xf32, #tpu.memory_space<vmem>> -> memref<128x128xf32, #tpu.memory_space<vmem>>
    %dma_start3A_72 = arith.constant 384 : i32
    %dma_start3A_73 = tpu.memref_slice %arg5[%dma_start3A_72] : memref<512xi32, #tpu.memory_space<vmem>> -> memref<128xi32, #tpu.memory_space<vmem>>
    %dma_start3A_74 = arith.constant 0 : i32
    %dma_start3A_75 = arith.constant 0 : i32
    %dma_start3A_76 = tpu.memref_slice %arg2[%dma_start3A_74, %dma_start3A_75] : memref<100000x128xf32, #tpu.memory_space<hbm>> -> memref<100000x128xf32, #tpu.memory_space<hbm>>
    tpu.enqueue_indirect_dma source(%dma_start3A_76 : memref<100000x128xf32, #tpu.memory_space<hbm>>) target(%dma_start3A_71 : memref<128x128xf32, #tpu.memory_space<vmem>>) offsets(%dma_start3A_73 : memref<128xi32, #tpu.memory_space<vmem>>) semaphore(%arg10 : memref<!tpu.dma_semaphore, #tpu.memory_space<semaphore_mem>>)
    %parallel_loop3A_77 = arith.constant 0 : i32
    %parallel_loop3A_78 = arith.constant 128 : i32
    %parallel_loop3A_79 = arith.constant 1 : i32
    scf.for %parallel_loop3A_185 = %parallel_loop3A_77 to %parallel_loop3A_78 step %parallel_loop3A_79  : i32 {
      %parallel_loop3A_186 = arith.constant 0 : i32
      %parallel_loop3A_187 = arith.index_cast %parallel_loop3A_186 : i32 to index
      %parallel_loop3A_188 = arith.index_cast %parallel_loop3A_185 : i32 to index
      %parallel_loop3A_189 = arith.constant 0 : index
      %parallel_loop3A_190 = tpu.vector_load %arg7[%parallel_loop3A_187, %parallel_loop3A_188, %parallel_loop3A_189] {strides = array<i32>} : memref<2x128x128xf32, #tpu.memory_space<vmem>>, vector<1x1x16xf32>,
      %parallel_loop3A_191 = vector.shape_cast %parallel_loop3A_190 : vector<1x1x16xf32> to vector<16xf32>
      %parallel_loop3A_192 = arith.constant 256 : i32
      %parallel_loop3A_193 = arith.addi %parallel_loop3A_192, %parallel_loop3A_185 : i32
      %parallel_loop3A_194 = arith.index_cast %parallel_loop3A_193 : i32 to index
      %parallel_loop3A_195 = arith.constant 0 : index
      %parallel_loop3A_196 = tpu.vector_load %arg8[%parallel_loop3A_194, %parallel_loop3A_195] {strides = array<i32>} : memref<512x64xf32, #tpu.memory_space<vmem>>, vector<1x16xf32>,
      %parallel_loop3A_197 = vector.shape_cast %parallel_loop3A_196 : vector<1x16xf32> to vector<16xf32>
      %parallel_loop3A_198 = vector.shape_cast %parallel_loop3A_191 : vector<16xf32> to vector<1x16xf32>
      tpu.vector_store %arg8[%parallel_loop3A_194, %parallel_loop3A_195], %parallel_loop3A_198 {strides = array<i32>} : memref<512x64xf32, #tpu.memory_space<vmem>>, vector<1x16xf32>,
      %parallel_loop3A_199 = arith.constant 0 : i32
      %parallel_loop3A_200 = arith.index_cast %parallel_loop3A_199 : i32 to index
      %parallel_loop3A_201 = arith.index_cast %parallel_loop3A_185 : i32 to index
      %parallel_loop3A_202 = arith.constant 16 : index
      %parallel_loop3A_203 = tpu.vector_load %arg7[%parallel_loop3A_200, %parallel_loop3A_201, %parallel_loop3A_202] {strides = array<i32>} : memref<2x128x128xf32, #tpu.memory_space<vmem>>, vector<1x1x16xf32>,
      %parallel_loop3A_204 = vector.shape_cast %parallel_loop3A_203 : vector<1x1x16xf32> to vector<16xf32>
      %parallel_loop3A_205 = arith.constant 256 : i32
      %parallel_loop3A_206 = arith.addi %parallel_loop3A_205, %parallel_loop3A_185 : i32
      %parallel_loop3A_207 = arith.index_cast %parallel_loop3A_206 : i32 to index
      %parallel_loop3A_208 = arith.constant 16 : index
      %parallel_loop3A_209 = tpu.vector_load %arg8[%parallel_loop3A_207, %parallel_loop3A_208] {strides = array<i32>} : memref<512x64xf32, #tpu.memory_space<vmem>>, vector<1x16xf32>,
      %parallel_loop3A_210 = vector.shape_cast %parallel_loop3A_209 : vector<1x16xf32> to vector<16xf32>
      %parallel_loop3A_211 = vector.shape_cast %parallel_loop3A_204 : vector<16xf32> to vector<1x16xf32>
      tpu.vector_store %arg8[%parallel_loop3A_207, %parallel_loop3A_208], %parallel_loop3A_211 {strides = array<i32>} : memref<512x64xf32, #tpu.memory_space<vmem>>, vector<1x16xf32>,
    } {sc.loop_unroll_factor = 8 : i64, sc.parallel_access}
    %dma_wait3A_80 = arith.constant 1 : i32
    %dma_wait3A_81 = arith.constant 0 : i32
    %dma_wait3A_82 = arith.constant 0 : i32
    %dma_wait3A_83 = tpu.memref_slice %arg7[%dma_wait3A_80, %dma_wait3A_81, %dma_wait3A_82] : memref<2x128x128xf32, #tpu.memory_space<vmem>> -> memref<1x128x128xf32, #tpu.memory_space<vmem>>
    %dma_wait3A_84 = tpu.memref_squeeze %dma_wait3A_83 : memref<1x128x128xf32, #tpu.memory_space<vmem>> -> memref<128x128xf32, #tpu.memory_space<vmem>>
    %dma_wait3A_85 = arith.constant 384 : i32
    %dma_wait3A_86 = tpu.memref_slice %arg5[%dma_wait3A_85] : memref<512xi32, #tpu.memory_space<vmem>> -> memref<128xi32, #tpu.memory_space<vmem>>
    %dma_wait3A_87 = arith.constant 0 : i32
    %dma_wait3A_88 = arith.constant 0 : i32
    %dma_wait3A_89 = tpu.memref_slice %arg2[%dma_wait3A_87, %dma_wait3A_88] : memref<100000x128xf32, #tpu.memory_space<hbm>> -> memref<100000x128xf32, #tpu.memory_space<hbm>>
    tpu.wait_indirect_dma semaphore(%arg10 : memref<!tpu.dma_semaphore, #tpu.memory_space<semaphore_mem>>) src(%dma_wait3A_89 : memref<100000x128xf32, #tpu.memory_space<hbm>>) dst(%dma_wait3A_84 : memref<128x128xf32, #tpu.memory_space<vmem>>)
    %dma_start3A_90 = arith.constant 0 : i32
    %dma_start3A_91 = arith.constant 0 : i32
    %dma_start3A_92 = arith.constant 0 : i32
    %dma_start3A_93 = tpu.memref_slice %arg7[%dma_start3A_90, %dma_start3A_91, %dma_start3A_92] : memref<2x128x128xf32, #tpu.memory_space<vmem>> -> memref<1x128x128xf32, #tpu.memory_space<vmem>>
    %dma_start3A_94 = tpu.memref_squeeze %dma_start3A_93 : memref<1x128x128xf32, #tpu.memory_space<vmem>> -> memref<128x128xf32, #tpu.memory_space<vmem>>
    %dma_start3A_95 = arith.constant 0 : i32
    %dma_start3A_96 = tpu.memref_slice %arg6[%dma_start3A_95] : memref<512xi32, #tpu.memory_space<vmem>> -> memref<128xi32, #tpu.memory_space<vmem>>
    %dma_start3A_97 = arith.constant 0 : i32
    %dma_start3A_98 = arith.constant 0 : i32
    %dma_start3A_99 = tpu.memref_slice %arg2[%dma_start3A_97, %dma_start3A_98] : memref<100000x128xf32, #tpu.memory_space<hbm>> -> memref<100000x128xf32, #tpu.memory_space<hbm>>
    tpu.enqueue_indirect_dma source(%dma_start3A_99 : memref<100000x128xf32, #tpu.memory_space<hbm>>) target(%dma_start3A_94 : memref<128x128xf32, #tpu.memory_space<vmem>>) offsets(%dma_start3A_96 : memref<128xi32, #tpu.memory_space<vmem>>) semaphore(%arg9 : memref<!tpu.dma_semaphore, #tpu.memory_space<semaphore_mem>>)
    %parallel_loop3A_100 = arith.constant 0 : i32
    %parallel_loop3A_101 = arith.constant 128 : i32
    %parallel_loop3A_102 = arith.constant 1 : i32
    scf.for %parallel_loop3A_185 = %parallel_loop3A_100 to %parallel_loop3A_101 step %parallel_loop3A_102  : i32 {
      %parallel_loop3A_186 = arith.constant 1 : i32
      %parallel_loop3A_187 = arith.index_cast %parallel_loop3A_186 : i32 to index
      %parallel_loop3A_188 = arith.index_cast %parallel_loop3A_185 : i32 to index
      %parallel_loop3A_189 = arith.constant 0 : index
      %parallel_loop3A_190 = tpu.vector_load %arg7[%parallel_loop3A_187, %parallel_loop3A_188, %parallel_loop3A_189] {strides = array<i32>} : memref<2x128x128xf32, #tpu.memory_space<vmem>>, vector<1x1x16xf32>,
      %parallel_loop3A_191 = vector.shape_cast %parallel_loop3A_190 : vector<1x1x16xf32> to vector<16xf32>
      %parallel_loop3A_192 = arith.constant 384 : i32
      %parallel_loop3A_193 = arith.addi %parallel_loop3A_192, %parallel_loop3A_185 : i32
      %parallel_loop3A_194 = arith.index_cast %parallel_loop3A_193 : i32 to index
      %parallel_loop3A_195 = arith.constant 0 : index
      %parallel_loop3A_196 = tpu.vector_load %arg8[%parallel_loop3A_194, %parallel_loop3A_195] {strides = array<i32>} : memref<512x64xf32, #tpu.memory_space<vmem>>, vector<1x16xf32>,
      %parallel_loop3A_197 = vector.shape_cast %parallel_loop3A_196 : vector<1x16xf32> to vector<16xf32>
      %parallel_loop3A_198 = vector.shape_cast %parallel_loop3A_191 : vector<16xf32> to vector<1x16xf32>
      tpu.vector_store %arg8[%parallel_loop3A_194, %parallel_loop3A_195], %parallel_loop3A_198 {strides = array<i32>} : memref<512x64xf32, #tpu.memory_space<vmem>>, vector<1x16xf32>,
      %parallel_loop3A_199 = arith.constant 1 : i32
      %parallel_loop3A_200 = arith.index_cast %parallel_loop3A_199 : i32 to index
      %parallel_loop3A_201 = arith.index_cast %parallel_loop3A_185 : i32 to index
      %parallel_loop3A_202 = arith.constant 16 : index
      %parallel_loop3A_203 = tpu.vector_load %arg7[%parallel_loop3A_200, %parallel_loop3A_201, %parallel_loop3A_202] {strides = array<i32>} : memref<2x128x128xf32, #tpu.memory_space<vmem>>, vector<1x1x16xf32>,
      %parallel_loop3A_204 = vector.shape_cast %parallel_loop3A_203 : vector<1x1x16xf32> to vector<16xf32>
      %parallel_loop3A_205 = arith.constant 384 : i32
      %parallel_loop3A_206 = arith.addi %parallel_loop3A_205, %parallel_loop3A_185 : i32
      %parallel_loop3A_207 = arith.index_cast %parallel_loop3A_206 : i32 to index
      %parallel_loop3A_208 = arith.constant 16 : index
      %parallel_loop3A_209 = tpu.vector_load %arg8[%parallel_loop3A_207, %parallel_loop3A_208] {strides = array<i32>} : memref<512x64xf32, #tpu.memory_space<vmem>>, vector<1x16xf32>,
      %parallel_loop3A_210 = vector.shape_cast %parallel_loop3A_209 : vector<1x16xf32> to vector<16xf32>
      %parallel_loop3A_211 = vector.shape_cast %parallel_loop3A_204 : vector<16xf32> to vector<1x16xf32>
      tpu.vector_store %arg8[%parallel_loop3A_207, %parallel_loop3A_208], %parallel_loop3A_211 {strides = array<i32>} : memref<512x64xf32, #tpu.memory_space<vmem>>, vector<1x16xf32>,
    } {sc.loop_unroll_factor = 8 : i64, sc.parallel_access}
    %dma_wait3A_103 = arith.constant 0 : i32
    %dma_wait3A_104 = arith.constant 0 : i32
    %dma_wait3A_105 = arith.constant 0 : i32
    %dma_wait3A_106 = tpu.memref_slice %arg7[%dma_wait3A_103, %dma_wait3A_104, %dma_wait3A_105] : memref<2x128x128xf32, #tpu.memory_space<vmem>> -> memref<1x128x128xf32, #tpu.memory_space<vmem>>
    %dma_wait3A_107 = tpu.memref_squeeze %dma_wait3A_106 : memref<1x128x128xf32, #tpu.memory_space<vmem>> -> memref<128x128xf32, #tpu.memory_space<vmem>>
    %dma_wait3A_108 = arith.constant 0 : i32
    %dma_wait3A_109 = tpu.memref_slice %arg6[%dma_wait3A_108] : memref<512xi32, #tpu.memory_space<vmem>> -> memref<128xi32, #tpu.memory_space<vmem>>
    %dma_wait3A_110 = arith.constant 0 : i32
    %dma_wait3A_111 = arith.constant 0 : i32
    %dma_wait3A_112 = tpu.memref_slice %arg2[%dma_wait3A_110, %dma_wait3A_111] : memref<100000x128xf32, #tpu.memory_space<hbm>> -> memref<100000x128xf32, #tpu.memory_space<hbm>>
    tpu.wait_indirect_dma semaphore(%arg9 : memref<!tpu.dma_semaphore, #tpu.memory_space<semaphore_mem>>) src(%dma_wait3A_112 : memref<100000x128xf32, #tpu.memory_space<hbm>>) dst(%dma_wait3A_107 : memref<128x128xf32, #tpu.memory_space<vmem>>)
    %dma_start3A_113 = arith.constant 1 : i32
    %dma_start3A_114 = arith.constant 0 : i32
    %dma_start3A_115 = arith.constant 0 : i32
    %dma_start3A_116 = tpu.memref_slice %arg7[%dma_start3A_113, %dma_start3A_114, %dma_start3A_115] : memref<2x128x128xf32, #tpu.memory_space<vmem>> -> memref<1x128x128xf32, #tpu.memory_space<vmem>>
    %dma_start3A_117 = tpu.memref_squeeze %dma_start3A_116 : memref<1x128x128xf32, #tpu.memory_space<vmem>> -> memref<128x128xf32, #tpu.memory_space<vmem>>
    %dma_start3A_118 = arith.constant 128 : i32
    %dma_start3A_119 = tpu.memref_slice %arg6[%dma_start3A_118] : memref<512xi32, #tpu.memory_space<vmem>> -> memref<128xi32, #tpu.memory_space<vmem>>
    %dma_start3A_120 = arith.constant 0 : i32
    %dma_start3A_121 = arith.constant 0 : i32
    %dma_start3A_122 = tpu.memref_slice %arg2[%dma_start3A_120, %dma_start3A_121] : memref<100000x128xf32, #tpu.memory_space<hbm>> -> memref<100000x128xf32, #tpu.memory_space<hbm>>
    tpu.enqueue_indirect_dma source(%dma_start3A_122 : memref<100000x128xf32, #tpu.memory_space<hbm>>) target(%dma_start3A_117 : memref<128x128xf32, #tpu.memory_space<vmem>>) offsets(%dma_start3A_119 : memref<128xi32, #tpu.memory_space<vmem>>) semaphore(%arg10 : memref<!tpu.dma_semaphore, #tpu.memory_space<semaphore_mem>>)
    %parallel_loop3A_123 = arith.constant 0 : i32
    %parallel_loop3A_124 = arith.constant 128 : i32
    %parallel_loop3A_125 = arith.constant 1 : i32
    scf.for %parallel_loop3A_185 = %parallel_loop3A_123 to %parallel_loop3A_124 step %parallel_loop3A_125  : i32 {
      %parallel_loop3A_186 = arith.constant 0 : i32
      %parallel_loop3A_187 = arith.index_cast %parallel_loop3A_186 : i32 to index
      %parallel_loop3A_188 = arith.index_cast %parallel_loop3A_185 : i32 to index
      %parallel_loop3A_189 = arith.constant 0 : index
      %parallel_loop3A_190 = tpu.vector_load %arg7[%parallel_loop3A_187, %parallel_loop3A_188, %parallel_loop3A_189] {strides = array<i32>} : memref<2x128x128xf32, #tpu.memory_space<vmem>>, vector<1x1x16xf32>,
      %parallel_loop3A_191 = vector.shape_cast %parallel_loop3A_190 : vector<1x1x16xf32> to vector<16xf32>
      %parallel_loop3A_192 = arith.constant 0 : i32
      %parallel_loop3A_193 = arith.addi %parallel_loop3A_192, %parallel_loop3A_185 : i32
      %parallel_loop3A_194 = arith.index_cast %parallel_loop3A_193 : i32 to index
      %parallel_loop3A_195 = arith.constant 32 : index
      %parallel_loop3A_196 = tpu.vector_load %arg8[%parallel_loop3A_194, %parallel_loop3A_195] {strides = array<i32>} : memref<512x64xf32, #tpu.memory_space<vmem>>, vector<1x16xf32>,
      %parallel_loop3A_197 = vector.shape_cast %parallel_loop3A_196 : vector<1x16xf32> to vector<16xf32>
      %parallel_loop3A_198 = vector.shape_cast %parallel_loop3A_191 : vector<16xf32> to vector<1x16xf32>
      tpu.vector_store %arg8[%parallel_loop3A_194, %parallel_loop3A_195], %parallel_loop3A_198 {strides = array<i32>} : memref<512x64xf32, #tpu.memory_space<vmem>>, vector<1x16xf32>,
      %parallel_loop3A_199 = arith.constant 0 : i32
      %parallel_loop3A_200 = arith.index_cast %parallel_loop3A_199 : i32 to index
      %parallel_loop3A_201 = arith.index_cast %parallel_loop3A_185 : i32 to index
      %parallel_loop3A_202 = arith.constant 16 : index
      %parallel_loop3A_203 = tpu.vector_load %arg7[%parallel_loop3A_200, %parallel_loop3A_201, %parallel_loop3A_202] {strides = array<i32>} : memref<2x128x128xf32, #tpu.memory_space<vmem>>, vector<1x1x16xf32>,
      %parallel_loop3A_204 = vector.shape_cast %parallel_loop3A_203 : vector<1x1x16xf32> to vector<16xf32>
      %parallel_loop3A_205 = arith.constant 0 : i32
      %parallel_loop3A_206 = arith.addi %parallel_loop3A_205, %parallel_loop3A_185 : i32
      %parallel_loop3A_207 = arith.index_cast %parallel_loop3A_206 : i32 to index
      %parallel_loop3A_208 = arith.constant 48 : index
      %parallel_loop3A_209 = tpu.vector_load %arg8[%parallel_loop3A_207, %parallel_loop3A_208] {strides = array<i32>} : memref<512x64xf32, #tpu.memory_space<vmem>>, vector<1x16xf32>,
      %parallel_loop3A_210 = vector.shape_cast %parallel_loop3A_209 : vector<1x16xf32> to vector<16xf32>
      %parallel_loop3A_211 = vector.shape_cast %parallel_loop3A_204 : vector<16xf32> to vector<1x16xf32>
      tpu.vector_store %arg8[%parallel_loop3A_207, %parallel_loop3A_208], %parallel_loop3A_211 {strides = array<i32>} : memref<512x64xf32, #tpu.memory_space<vmem>>, vector<1x16xf32>,
    } {sc.loop_unroll_factor = 8 : i64, sc.parallel_access}
    %dma_wait3A_126 = arith.constant 1 : i32
    %dma_wait3A_127 = arith.constant 0 : i32
    %dma_wait3A_128 = arith.constant 0 : i32
    %dma_wait3A_129 = tpu.memref_slice %arg7[%dma_wait3A_126, %dma_wait3A_127, %dma_wait3A_128] : memref<2x128x128xf32, #tpu.memory_space<vmem>> -> memref<1x128x128xf32, #tpu.memory_space<vmem>>
    %dma_wait3A_130 = tpu.memref_squeeze %dma_wait3A_129 : memref<1x128x128xf32, #tpu.memory_space<vmem>> -> memref<128x128xf32, #tpu.memory_space<vmem>>
    %dma_wait3A_131 = arith.constant 128 : i32
    %dma_wait3A_132 = tpu.memref_slice %arg6[%dma_wait3A_131] : memref<512xi32, #tpu.memory_space<vmem>> -> memref<128xi32, #tpu.memory_space<vmem>>
    %dma_wait3A_133 = arith.constant 0 : i32
    %dma_wait3A_134 = arith.constant 0 : i32
    %dma_wait3A_135 = tpu.memref_slice %arg2[%dma_wait3A_133, %dma_wait3A_134] : memref<100000x128xf32, #tpu.memory_space<hbm>> -> memref<100000x128xf32, #tpu.memory_space<hbm>>
    tpu.wait_indirect_dma semaphore(%arg10 : memref<!tpu.dma_semaphore, #tpu.memory_space<semaphore_mem>>) src(%dma_wait3A_135 : memref<100000x128xf32, #tpu.memory_space<hbm>>) dst(%dma_wait3A_130 : memref<128x128xf32, #tpu.memory_space<vmem>>)
    %dma_start3A_136 = arith.constant 0 : i32
    %dma_start3A_137 = arith.constant 0 : i32
    %dma_start3A_138 = arith.constant 0 : i32
    %dma_start3A_139 = tpu.memref_slice %arg7[%dma_start3A_136, %dma_start3A_137, %dma_start3A_138] : memref<2x128x128xf32, #tpu.memory_space<vmem>> -> memref<1x128x128xf32, #tpu.memory_space<vmem>>
    %dma_start3A_140 = tpu.memref_squeeze %dma_start3A_139 : memref<1x128x128xf32, #tpu.memory_space<vmem>> -> memref<128x128xf32, #tpu.memory_space<vmem>>
    %dma_start3A_141 = arith.constant 256 : i32
    %dma_start3A_142 = tpu.memref_slice %arg6[%dma_start3A_141] : memref<512xi32, #tpu.memory_space<vmem>> -> memref<128xi32, #tpu.memory_space<vmem>>
    %dma_start3A_143 = arith.constant 0 : i32
    %dma_start3A_144 = arith.constant 0 : i32
    %dma_start3A_145 = tpu.memref_slice %arg2[%dma_start3A_143, %dma_start3A_144] : memref<100000x128xf32, #tpu.memory_space<hbm>> -> memref<100000x128xf32, #tpu.memory_space<hbm>>
    tpu.enqueue_indirect_dma source(%dma_start3A_145 : memref<100000x128xf32, #tpu.memory_space<hbm>>) target(%dma_start3A_140 : memref<128x128xf32, #tpu.memory_space<vmem>>) offsets(%dma_start3A_142 : memref<128xi32, #tpu.memory_space<vmem>>) semaphore(%arg9 : memref<!tpu.dma_semaphore, #tpu.memory_space<semaphore_mem>>)
    %parallel_loop3A_146 = arith.constant 0 : i32
    %parallel_loop3A_147 = arith.constant 128 : i32
    %parallel_loop3A_148 = arith.constant 1 : i32
    scf.for %parallel_loop3A_185 = %parallel_loop3A_146 to %parallel_loop3A_147 step %parallel_loop3A_148  : i32 {
      %parallel_loop3A_186 = arith.constant 1 : i32
      %parallel_loop3A_187 = arith.index_cast %parallel_loop3A_186 : i32 to index
      %parallel_loop3A_188 = arith.index_cast %parallel_loop3A_185 : i32 to index
      %parallel_loop3A_189 = arith.constant 0 : index
      %parallel_loop3A_190 = tpu.vector_load %arg7[%parallel_loop3A_187, %parallel_loop3A_188, %parallel_loop3A_189] {strides = array<i32>} : memref<2x128x128xf32, #tpu.memory_space<vmem>>, vector<1x1x16xf32>,
      %parallel_loop3A_191 = vector.shape_cast %parallel_loop3A_190 : vector<1x1x16xf32> to vector<16xf32>
      %parallel_loop3A_192 = arith.constant 128 : i32
      %parallel_loop3A_193 = arith.addi %parallel_loop3A_192, %parallel_loop3A_185 : i32
      %parallel_loop3A_194 = arith.index_cast %parallel_loop3A_193 : i32 to index
      %parallel_loop3A_195 = arith.constant 32 : index
      %parallel_loop3A_196 = tpu.vector_load %arg8[%parallel_loop3A_194, %parallel_loop3A_195] {strides = array<i32>} : memref<512x64xf32, #tpu.memory_space<vmem>>, vector<1x16xf32>,
      %parallel_loop3A_197 = vector.shape_cast %parallel_loop3A_196 : vector<1x16xf32> to vector<16xf32>
      %parallel_loop3A_198 = vector.shape_cast %parallel_loop3A_191 : vector<16xf32> to vector<1x16xf32>
      tpu.vector_store %arg8[%parallel_loop3A_194, %parallel_loop3A_195], %parallel_loop3A_198 {strides = array<i32>} : memref<512x64xf32, #tpu.memory_space<vmem>>, vector<1x16xf32>,
      %parallel_loop3A_199 = arith.constant 1 : i32
      %parallel_loop3A_200 = arith.index_cast %parallel_loop3A_199 : i32 to index
      %parallel_loop3A_201 = arith.index_cast %parallel_loop3A_185 : i32 to index
      %parallel_loop3A_202 = arith.constant 16 : index
      %parallel_loop3A_203 = tpu.vector_load %arg7[%parallel_loop3A_200, %parallel_loop3A_201, %parallel_loop3A_202] {strides = array<i32>} : memref<2x128x128xf32, #tpu.memory_space<vmem>>, vector<1x1x16xf32>,
      %parallel_loop3A_204 = vector.shape_cast %parallel_loop3A_203 : vector<1x1x16xf32> to vector<16xf32>
      %parallel_loop3A_205 = arith.constant 128 : i32
      %parallel_loop3A_206 = arith.addi %parallel_loop3A_205, %parallel_loop3A_185 : i32
      %parallel_loop3A_207 = arith.index_cast %parallel_loop3A_206 : i32 to index
      %parallel_loop3A_208 = arith.constant 48 : index
      %parallel_loop3A_209 = tpu.vector_load %arg8[%parallel_loop3A_207, %parallel_loop3A_208] {strides = array<i32>} : memref<512x64xf32, #tpu.memory_space<vmem>>, vector<1x16xf32>,
      %parallel_loop3A_210 = vector.shape_cast %parallel_loop3A_209 : vector<1x16xf32> to vector<16xf32>
      %parallel_loop3A_211 = vector.shape_cast %parallel_loop3A_204 : vector<16xf32> to vector<1x16xf32>
      tpu.vector_store %arg8[%parallel_loop3A_207, %parallel_loop3A_208], %parallel_loop3A_211 {strides = array<i32>} : memref<512x64xf32, #tpu.memory_space<vmem>>, vector<1x16xf32>,
    } {sc.loop_unroll_factor = 8 : i64, sc.parallel_access}
    %dma_wait3A_149 = arith.constant 0 : i32
    %dma_wait3A_150 = arith.constant 0 : i32
    %dma_wait3A_151 = arith.constant 0 : i32
    %dma_wait3A_152 = tpu.memref_slice %arg7[%dma_wait3A_149, %dma_wait3A_150, %dma_wait3A_151] : memref<2x128x128xf32, #tpu.memory_space<vmem>> -> memref<1x128x128xf32, #tpu.memory_space<vmem>>
    %dma_wait3A_153 = tpu.memref_squeeze %dma_wait3A_152 : memref<1x128x128xf32, #tpu.memory_space<vmem>> -> memref<128x128xf32, #tpu.memory_space<vmem>>
    %dma_wait3A_154 = arith.constant 256 : i32
    %dma_wait3A_155 = tpu.memref_slice %arg6[%dma_wait3A_154] : memref<512xi32, #tpu.memory_space<vmem>> -> memref<128xi32, #tpu.memory_space<vmem>>
    %dma_wait3A_156 = arith.constant 0 : i32
    %dma_wait3A_157 = arith.constant 0 : i32
    %dma_wait3A_158 = tpu.memref_slice %arg2[%dma_wait3A_156, %dma_wait3A_157] : memref<100000x128xf32, #tpu.memory_space<hbm>> -> memref<100000x128xf32, #tpu.memory_space<hbm>>
    tpu.wait_indirect_dma semaphore(%arg9 : memref<!tpu.dma_semaphore, #tpu.memory_space<semaphore_mem>>) src(%dma_wait3A_158 : memref<100000x128xf32, #tpu.memory_space<hbm>>) dst(%dma_wait3A_153 : memref<128x128xf32, #tpu.memory_space<vmem>>)
    %dma_start3A_159 = arith.constant 1 : i32
    %dma_start3A_160 = arith.constant 0 : i32
    %dma_start3A_161 = arith.constant 0 : i32
    %dma_start3A_162 = tpu.memref_slice %arg7[%dma_start3A_159, %dma_start3A_160, %dma_start3A_161] : memref<2x128x128xf32, #tpu.memory_space<vmem>> -> memref<1x128x128xf32, #tpu.memory_space<vmem>>
    %dma_start3A_163 = tpu.memref_squeeze %dma_start3A_162 : memref<1x128x128xf32, #tpu.memory_space<vmem>> -> memref<128x128xf32, #tpu.memory_space<vmem>>
    %dma_start3A_164 = arith.constant 384 : i32
    %dma_start3A_165 = tpu.memref_slice %arg6[%dma_start3A_164] : memref<512xi32, #tpu.memory_space<vmem>> -> memref<128xi32, #tpu.memory_space<vmem>>
    %dma_start3A_166 = arith.constant 0 : i32
    %dma_start3A_167 = arith.constant 0 : i32
    %dma_start3A_168 = tpu.memref_slice %arg2[%dma_start3A_166, %dma_start3A_167] : memref<100000x128xf32, #tpu.memory_space<hbm>> -> memref<100000x128xf32, #tpu.memory_space<hbm>>
    tpu.enqueue_indirect_dma source(%dma_start3A_168 : memref<100000x128xf32, #tpu.memory_space<hbm>>) target(%dma_start3A_163 : memref<128x128xf32, #tpu.memory_space<vmem>>) offsets(%dma_start3A_165 : memref<128xi32, #tpu.memory_space<vmem>>) semaphore(%arg10 : memref<!tpu.dma_semaphore, #tpu.memory_space<semaphore_mem>>)
    %parallel_loop3A_169 = arith.constant 0 : i32
    %parallel_loop3A_170 = arith.constant 128 : i32
    %parallel_loop3A_171 = arith.constant 1 : i32
    scf.for %parallel_loop3A_185 = %parallel_loop3A_169 to %parallel_loop3A_170 step %parallel_loop3A_171  : i32 {
      %parallel_loop3A_186 = arith.constant 0 : i32
      %parallel_loop3A_187 = arith.index_cast %parallel_loop3A_186 : i32 to index
      %parallel_loop3A_188 = arith.index_cast %parallel_loop3A_185 : i32 to index
      %parallel_loop3A_189 = arith.constant 0 : index
      %parallel_loop3A_190 = tpu.vector_load %arg7[%parallel_loop3A_187, %parallel_loop3A_188, %parallel_loop3A_189] {strides = array<i32>} : memref<2x128x128xf32, #tpu.memory_space<vmem>>, vector<1x1x16xf32>,
      %parallel_loop3A_191 = vector.shape_cast %parallel_loop3A_190 : vector<1x1x16xf32> to vector<16xf32>
      %parallel_loop3A_192 = arith.constant 256 : i32
      %parallel_loop3A_193 = arith.addi %parallel_loop3A_192, %parallel_loop3A_185 : i32
      %parallel_loop3A_194 = arith.index_cast %parallel_loop3A_193 : i32 to index
      %parallel_loop3A_195 = arith.constant 32 : index
      %parallel_loop3A_196 = tpu.vector_load %arg8[%parallel_loop3A_194, %parallel_loop3A_195] {strides = array<i32>} : memref<512x64xf32, #tpu.memory_space<vmem>>, vector<1x16xf32>,
      %parallel_loop3A_197 = vector.shape_cast %parallel_loop3A_196 : vector<1x16xf32> to vector<16xf32>
      %parallel_loop3A_198 = vector.shape_cast %parallel_loop3A_191 : vector<16xf32> to vector<1x16xf32>
      tpu.vector_store %arg8[%parallel_loop3A_194, %parallel_loop3A_195], %parallel_loop3A_198 {strides = array<i32>} : memref<512x64xf32, #tpu.memory_space<vmem>>, vector<1x16xf32>,
      %parallel_loop3A_199 = arith.constant 0 : i32
      %parallel_loop3A_200 = arith.index_cast %parallel_loop3A_199 : i32 to index
      %parallel_loop3A_201 = arith.index_cast %parallel_loop3A_185 : i32 to index
      %parallel_loop3A_202 = arith.constant 16 : index
      %parallel_loop3A_203 = tpu.vector_load %arg7[%parallel_loop3A_200, %parallel_loop3A_201, %parallel_loop3A_202] {strides = array<i32>} : memref<2x128x128xf32, #tpu.memory_space<vmem>>, vector<1x1x16xf32>,
      %parallel_loop3A_204 = vector.shape_cast %parallel_loop3A_203 : vector<1x1x16xf32> to vector<16xf32>
      %parallel_loop3A_205 = arith.constant 256 : i32
      %parallel_loop3A_206 = arith.addi %parallel_loop3A_205, %parallel_loop3A_185 : i32
      %parallel_loop3A_207 = arith.index_cast %parallel_loop3A_206 : i32 to index
      %parallel_loop3A_208 = arith.constant 48 : index
      %parallel_loop3A_209 = tpu.vector_load %arg8[%parallel_loop3A_207, %parallel_loop3A_208] {strides = array<i32>} : memref<512x64xf32, #tpu.memory_space<vmem>>, vector<1x16xf32>,
      %parallel_loop3A_210 = vector.shape_cast %parallel_loop3A_209 : vector<1x16xf32> to vector<16xf32>
      %parallel_loop3A_211 = vector.shape_cast %parallel_loop3A_204 : vector<16xf32> to vector<1x16xf32>
      tpu.vector_store %arg8[%parallel_loop3A_207, %parallel_loop3A_208], %parallel_loop3A_211 {strides = array<i32>} : memref<512x64xf32, #tpu.memory_space<vmem>>, vector<1x16xf32>,
    } {sc.loop_unroll_factor = 8 : i64, sc.parallel_access}
    %dma_wait3A_172 = arith.constant 1 : i32
    %dma_wait3A_173 = arith.constant 0 : i32
    %dma_wait3A_174 = arith.constant 0 : i32
    %dma_wait3A_175 = tpu.memref_slice %arg7[%dma_wait3A_172, %dma_wait3A_173, %dma_wait3A_174] : memref<2x128x128xf32, #tpu.memory_space<vmem>> -> memref<1x128x128xf32, #tpu.memory_space<vmem>>
    %dma_wait3A_176 = tpu.memref_squeeze %dma_wait3A_175 : memref<1x128x128xf32, #tpu.memory_space<vmem>> -> memref<128x128xf32, #tpu.memory_space<vmem>>
    %dma_wait3A_177 = arith.constant 384 : i32
    %dma_wait3A_178 = tpu.memref_slice %arg6[%dma_wait3A_177] : memref<512xi32, #tpu.memory_space<vmem>> -> memref<128xi32, #tpu.memory_space<vmem>>
    %dma_wait3A_179 = arith.constant 0 : i32
    %dma_wait3A_180 = arith.constant 0 : i32
    %dma_wait3A_181 = tpu.memref_slice %arg2[%dma_wait3A_179, %dma_wait3A_180] : memref<100000x128xf32, #tpu.memory_space<hbm>> -> memref<100000x128xf32, #tpu.memory_space<hbm>>
    tpu.wait_indirect_dma semaphore(%arg10 : memref<!tpu.dma_semaphore, #tpu.memory_space<semaphore_mem>>) src(%dma_wait3A_181 : memref<100000x128xf32, #tpu.memory_space<hbm>>) dst(%dma_wait3A_176 : memref<128x128xf32, #tpu.memory_space<vmem>>)
    %parallel_loop3A_182 = arith.constant 0 : i32
    %parallel_loop3A_183 = arith.constant 128 : i32
    %parallel_loop3A_184 = arith.constant 1 : i32
    scf.for %parallel_loop3A_185 = %parallel_loop3A_182 to %parallel_loop3A_183 step %parallel_loop3A_184  : i32 {
      %parallel_loop3A_186 = arith.constant 1 : i32
      %parallel_loop3A_187 = arith.index_cast %parallel_loop3A_186 : i32 to index
      %parallel_loop3A_188 = arith.index_cast %parallel_loop3A_185 : i32 to index
      %parallel_loop3A_189 = arith.constant 0 : index
      %parallel_loop3A_190 = tpu.vector_load %arg7[%parallel_loop3A_187, %parallel_loop3A_188, %parallel_loop3A_189] {strides = array<i32>} : memref<2x128x128xf32, #tpu.memory_space<vmem>>, vector<1x1x16xf32>,
      %parallel_loop3A_191 = vector.shape_cast %parallel_loop3A_190 : vector<1x1x16xf32> to vector<16xf32>
      %parallel_loop3A_192 = arith.constant 384 : i32
      %parallel_loop3A_193 = arith.addi %parallel_loop3A_192, %parallel_loop3A_185 : i32
      %parallel_loop3A_194 = arith.index_cast %parallel_loop3A_193 : i32 to index
      %parallel_loop3A_195 = arith.constant 32 : index
      %parallel_loop3A_196 = tpu.vector_load %arg8[%parallel_loop3A_194, %parallel_loop3A_195] {strides = array<i32>} : memref<512x64xf32, #tpu.memory_space<vmem>>, vector<1x16xf32>,
      %parallel_loop3A_197 = vector.shape_cast %parallel_loop3A_196 : vector<1x16xf32> to vector<16xf32>
      %parallel_loop3A_198 = vector.shape_cast %parallel_loop3A_191 : vector<16xf32> to vector<1x16xf32>
      tpu.vector_store %arg8[%parallel_loop3A_194, %parallel_loop3A_195], %parallel_loop3A_198 {strides = array<i32>} : memref<512x64xf32, #tpu.memory_space<vmem>>, vector<1x16xf32>,
      %parallel_loop3A_199 = arith.constant 1 : i32
      %parallel_loop3A_200 = arith.index_cast %parallel_loop3A_199 : i32 to index
      %parallel_loop3A_201 = arith.index_cast %parallel_loop3A_185 : i32 to index
      %parallel_loop3A_202 = arith.constant 16 : index
      %parallel_loop3A_203 = tpu.vector_load %arg7[%parallel_loop3A_200, %parallel_loop3A_201, %parallel_loop3A_202] {strides = array<i32>} : memref<2x128x128xf32, #tpu.memory_space<vmem>>, vector<1x1x16xf32>,
      %parallel_loop3A_204 = vector.shape_cast %parallel_loop3A_203 : vector<1x1x16xf32> to vector<16xf32>
      %parallel_loop3A_205 = arith.constant 384 : i32
      %parallel_loop3A_206 = arith.addi %parallel_loop3A_205, %parallel_loop3A_185 : i32
      %parallel_loop3A_207 = arith.index_cast %parallel_loop3A_206 : i32 to index
      %parallel_loop3A_208 = arith.constant 48 : index
      %parallel_loop3A_209 = tpu.vector_load %arg8[%parallel_loop3A_207, %parallel_loop3A_208] {strides = array<i32>} : memref<512x64xf32, #tpu.memory_space<vmem>>, vector<1x16xf32>,
      %parallel_loop3A_210 = vector.shape_cast %parallel_loop3A_209 : vector<1x16xf32> to vector<16xf32>
      %parallel_loop3A_211 = vector.shape_cast %parallel_loop3A_204 : vector<16xf32> to vector<1x16xf32>
      tpu.vector_store %arg8[%parallel_loop3A_207, %parallel_loop3A_208], %parallel_loop3A_211 {strides = array<i32>} : memref<512x64xf32, #tpu.memory_space<vmem>>, vector<1x16xf32>,
    } {sc.loop_unroll_factor = 8 : i64, sc.parallel_access}
    "tpu.region"() ({
      %run_scoped3A_185 = tpu.sem_alloc : memref<!tpu.dma_semaphore, #tpu.memory_space<semaphore_mem>>
      %dma_start3A_186 = arith.constant 0 : i32
      %dma_start3A_187 = tpu.memref_slice %arg4[%mul3A_2, %dma_start3A_186] : memref<16384x64xf32, #tpu.memory_space<hbm>> -> memref<512x64xf32, #tpu.memory_space<hbm>>
      %dma_start3A_188 = arith.constant 0 : i32
      %dma_start3A_189 = tpu.memref_slice %arg4[%mul3A_2, %dma_start3A_188] : memref<16384x64xf32, #tpu.memory_space<hbm>> -> memref<512x64xf32, #tpu.memory_space<hbm>>
      tpu.enqueue_dma source(%arg8 : memref<512x64xf32, #tpu.memory_space<vmem>>) target(%dma_start3A_189 : memref<512x64xf32, #tpu.memory_space<hbm>>) target_semaphore(%run_scoped3A_185 : memref<!tpu.dma_semaphore, #tpu.memory_space<semaphore_mem>>)
      %dma_wait3A_190 = arith.constant 0 : i32
      %dma_wait3A_191 = tpu.memref_slice %arg4[%mul3A_2, %dma_wait3A_190] : memref<16384x64xf32, #tpu.memory_space<hbm>> -> memref<512x64xf32, #tpu.memory_space<hbm>>
      %dma_wait3A_192 = arith.constant 0 : i32
      %dma_wait3A_193 = tpu.memref_slice %arg4[%mul3A_2, %dma_wait3A_192] : memref<16384x64xf32, #tpu.memory_space<hbm>> -> memref<512x64xf32, #tpu.memory_space<hbm>>
      tpu.wait_dma2 semaphore(%run_scoped3A_185 : memref<!tpu.dma_semaphore, #tpu.memory_space<semaphore_mem>>) src(%arg8 : memref<512x64xf32, #tpu.memory_space<vmem>>) dst(%dma_wait3A_193 : memref<512x64xf32, #tpu.memory_space<hbm>>)
      tpu.yield
    }) : () -> ()
    return
  }
}

</mosaic_0001>

<sc_bundles>
// kernel: kernel.3.cloned.1.call-start
scs
__scs_entry_jumppad:
0x0: {  	(pc) =	sbr.rel $0x88, $3  }
0x1: {  	(tag) =	ssettag $0x0;
	lr =	simm.s32 $0x1  }
0x2: {  	[smem:$0x3F9F] =	sst lr;
	_ =	strace $0xD0000000  }
0x3: {  	_ = 	snop  }
0x4: {  	_ = 	snop  }
0x5: {  	_ = 	snop  }
0x6: {  	_ = 	snop  }
0x7: {  	_ = 	snop  }
__scs_overlays_trampoline_lowered:
0x8: {  	[smem:$0x3FAE] =	sst s0  }
0x9: {  	[smem:$0x3FAF] =	sst s1  }
0xa: {  	[smem:$0x3FB0] =	sst s2  }
0xb: {  	[smem:$0x3FB1] =	sst s3  }
0xc: {  	[smem:$0x3FB2] =	sst s4  }
0xd: {  	[smem:$0x3FB3] =	sst s5  }
0xe: {  	[smem:$0x3FB4] =	sst s6  }
0xf: {  	[smem:$0x3FB5] =	sst s7  }
0x10: {  	[smem:$0x3FB6] =	sst s8  }
0x11: {  	[smem:$0x3FB7] =	sst s9;
	s0 =	simm.s32 @!p0 $0x0  }
0x12: {  	s1 =	sld [smem:$0x3F9D];
	s0 =	simm.s32 @p0 $0x1  }
0x13: {  	[smem:$0x3FB8] =	sst s0;
	s0 =	simm.s32 @!p1 $0x0  }
0x14: {  	s2 =	sld [smem:$0x3F9C];
	s0 =	simm.s32 @p1 $0x1  }
0x15: {  	[smem:$0x3FB9] =	sst s0;
	s0 =	simm.s32 @!p2 $0x0  }
0x16: {  	s3 =	sld [smem:$0x3FDB];
	s0 =	simm.s32 @p2 $0x1  }
0x17: {  	s4 =	simm.s32 $0x1BF5;
	[smem:$0x3FBB] =	sst s0  }
0x18: {  	s0 =	sld [smem:$0x3F9E];
	_ =	swait.ge [sflag:s4], $0x0  }
0x19: {  	s7 =	sld [smem:$0x3F9F]  }
0x1a: {  	s8 =	sadd.s32 $0xFFFFE003, lr  }
0x1b: {  	s9 =	sadd.s32 $0xFFFFFEF7, lr;
	s5 =	simm.s32 $0xFFFFFFFF;
	p2 =	slt.u32 s8, $0xFFFFF086  }
0x1c: {  	p1 =	slt.u32 s9, $0xF7A;
	s5 =	simm.s32 @!p2 $0x0  }
0x1d: {  	s5 =	simm.s32 @p1 $0x1;
	p0 =	seq.s32 s7, s2  }
0x1e: {  	s7 =	smul.u32 @!p0 $0xF7A, s2;
	p2 =	seq.s32 @!p0 s5, $0x0  }
0x1f: {  	s9 =	smul.u32 $0xF7A, s1;
	s8 =	simm.s32 @!p0 $0x1BF5;
	p2 =	por !p2, p0  }
0x20: {  	[sflag:s8] =	ssyncset.s32 @!p0 $0xFFFFF086;
	s6 =	sadd.s32 @!p0 s3, s7;
	s7 =	simm.s32 @!p0 $0x108  }
0x21: {  	s3 =	sadd.s32 s3, s9;
	s6 =	sadd.s32 @!p0 $0x88, s6;
	s7 =	simm.s32 @p2 $0x1082  }
0x22: {  	[simem:s7], [sflag:s8] =	dma.local @!p0 [hbm:s6], $0xF7A  }
0x23: {  	s9 =	sor.u32 $0xD0000000, s2;
	s6 =	simm.s32 $0x108;
	_ =	swait.ge @!p0 [sflag:s8], $0x0  }
0x24: {  	s3 =	sadd.s32 $0x88, s3;
	s6 =	simm.s32 @!p1 $0x1082;
	[sflag:s4] =	ssyncset.s32 $0xFFFFF086  }
0x25: {  	[simem:s6], [sflag:s4] =	dma.local [hbm:s3], $0xF7A  }
0x26: {  	[smem:$0x3F9F] =	sst s1;
	(tag) =	ssettag s2;
	_ =	strace s9  }
0x27: {  	s1 =	sld [smem:$0x3FAF]  }
0x28: {  	s2 =	sld [smem:$0x3FB0]  }
0x29: {  	s4 =	sld [smem:$0x3FB2]  }
0x2a: {  	p0 =	seq.s32 s5, $0x0;
	s5 =	sld [smem:$0x3FB3]  }
0x2b: {  	s6 =	sld [smem:$0x3FB4]  }
0x2c: {  	s7 =	sld [smem:$0x3FB5]  }
0x2d: {  	s3 =	simm.s32 $0x108;
	s8 =	sld [smem:$0x3FB6]  }
0x2e: {  	s3 =	simm.s32 @!p0 $0x1082;
	s9 =	sld [smem:$0x3FB7]  }
0x2f: {  	lr =	sadd.s32 s0, s3;
	s0 =	sld [smem:$0x3FAE]  }
0x30: {  	s3 =	sld [smem:$0x3FB1]  }
0x31: {  	[smem:$0x3FBA] =	sst s10  }
0x32: {  	s10 =	sld [smem:$0x3FB8];
	_ =	sdelay $0x3  }
0x33: {  	p0 =	seq.s32 s10, $0x1;
	s10 =	sld [smem:$0x3FBA];
	_ =	sdelay $0x3  }
0x34: {  	[smem:$0x3FBA] =	sst s10  }
0x35: {  	s10 =	sld [smem:$0x3FB9];
	_ =	sdelay $0x3  }
0x36: {  	p1 =	seq.s32 s10, $0x1;
	s10 =	sld [smem:$0x3FBA];
	_ =	sdelay $0x3  }
0x37: {  	[smem:$0x3FBA] =	sst s10  }
0x38: {  	s10 =	sld [smem:$0x3FBB]  }
0x39: {  	_ = 	snop;
	(pc) =	sbr.ind lr, $3  }
0x3a: {  	_ = 	snop  }
0x3b: {  	_ = 	snop  }
0x3c: {  	p2 =	seq.s32 s10, $0x1;
	s10 =	sld [smem:$0x3FBA]  }
0x3d: {  	_ =	shalt  }
0x3e: {  	_ =	shalt  }
0x3f: {  	_ =	shalt  }
0x40: {  	_ =	shalt  }
0x41: {  	_ =	shalt  }
0x42: {  	_ =	shalt  }
0x43: {  	_ =	shalt  }
0x44: {  	_ =	shalt  }
0x45: {  	_ =	shalt  }
0x46: {  	_ =	shalt  }
0x47: {  	_ =	shalt  }
0x48: {  	_ =	shalt  }
0x49: {  	_ =	shalt  }
0x4a: {  	_ =	shalt  }
0x4b: {  	_ =	shalt  }
0x4c: {  	_ =	shalt  }
0x4d: {  	_ =	shalt  }
0x4e: {  	_ =	shalt  }
0x4f: {  	_ =	shalt  }
0x50: {  	_ =	shalt  }
0x51: {  	_ =	shalt  }
0x52: {  	_ =	shalt  }
0x53: {  	_ =	shalt  }
0x54: {  	_ =	shalt  }
0x55: {  	_ =	shalt  }
0x56: {  	_ =	shalt  }
0x57: {  	_ =	shalt  }
0x58: {  	_ =	shalt  }
0x59: {  	_ =	shalt  }
0x5a: {  	_ =	shalt  }
0x5b: {  	_ =	shalt  }
0x5c: {  	_ =	shalt  }
0x5d: {  	_ =	shalt  }
0x5e: {  	_ =	shalt  }
0x5f: {  	_ =	shalt  }
0x60: {  	_ =	shalt  }
0x61: {  	_ =	shalt  }
0x62: {  	_ =	shalt  }
0x63: {  	_ =	shalt  }
0x64: {  	_ =	shalt  }
0x65: {  	_ =	shalt  }
0x66: {  	_ =	shalt  }
0x67: {  	_ =	shalt  }
0x68: {  	_ =	shalt  }
0x69: {  	_ =	shalt  }
0x6a: {  	_ =	shalt  }
0x6b: {  	_ =	shalt  }
0x6c: {  	_ =	shalt  }
0x6d: {  	_ =	shalt  }
0x6e: {  	_ =	shalt  }
0x6f: {  	_ =	shalt  }
0x70: {  	_ =	shalt  }
0x71: {  	_ =	shalt  }
0x72: {  	_ =	shalt  }
0x73: {  	_ =	shalt  }
0x74: {  	_ =	shalt  }
0x75: {  	_ =	shalt  }
0x76: {  	_ =	shalt  }
0x77: {  	_ =	shalt  }
0x78: {  	_ =	shalt  }
0x79: {  	_ =	shalt  }
0x7a: {  	_ =	shalt  }
0x7b: {  	_ =	shalt  }
0x7c: {  	_ =	shalt  }
0x7d: {  	_ =	shalt  }
0x7e: {  	_ =	shalt  }
0x7f: {  	_ =	shalt  }
0x80: {  	_ =	shalt  }
0x81: {  	_ =	shalt  }
0x82: {  	_ =	shalt  }
0x83: {  	_ =	shalt  }
0x84: {  	_ =	shalt  }
0x85: {  	_ =	shalt  }
0x86: {  	_ =	shalt  }
0x87: {  	_ =	shalt  }
.Lfunc_end0:
.L_simem_size_0:
called_computation_lowered:
.L_overlay_start_0:
0x88: {  	s2 =	sld [smem:$0x3FD9]  }
0x89: {  	s3 =	sld [smem:$0x3FFE];
	_ =	sdelay $0x1  }
0x8a: {  	s1 =	srdreg.scid  }
0x8b: {  	s0 =	sand.u32 $0x1, s1  }
0x8c: {  	s17 =	sshll.u32 s0, $0xA;
	s2 =	sadd.s32 s3, s2  }
0x8d: {  	s2 =	sadd.s32 s2, s17  }
0x8e: {  	[smem:$0x3FC6] =	sst s2  }
0x8f: {  	_ = 	snop  }
0x90: {  	s2 =	sld [smem:$0x3FC9];
	(tm) =	ssettm $0x1  }
0x91: {  	s18 =	sld [smem:$0x3FFB];
	_ =	sdelay $0x3  }
0x92: {  	_ =	strace s18  }
0x93: {  	s3 =	sld [smem:$0x3FFC];
	_ =	sdelay $0x3  }
0x94: {  	_ =	strace s3  }
0x95: {  	s3 =	sld [smem:$0x3FFD];
	_ =	sdelay $0x3  }
0x96: {  	_ =	strace s3  }
0x97: {  	_ =	strace $0x8FFFFFFF  }
0x98: {  	s19 =	sld [smem:$0x3FDB];
	_ =	sdelay $0x1  }
0x99: {  	s4 =	simm.s32 $_scs_section_size  }
0x9a: {  	s5 =	simm.s32 $_size__tile_overlayer_lowered;
	s6 =	simm.s32 $_tile_overlayer_lowered  }
0x9b: {  	s22 =	simm.s32 $0x1BFF;
	s21 =	sshll.u32 s6, $0x1;
	s3 =	sadd.s32 s4, s19  }
0x9c: {  	s7 =	simm.s32 $0x0;
	s20 =	sshll.u32 s5, $0x1;
	s5 =	sadd.s32 s21, s3  }
0x9d: {  	[timem:s7], [sflag:s22] =	dma.local [hbm:s5], s20  }
0x9e: {  	_ =	swait.ge [sflag:s22], s20  }
0x9f: {  	s4 =	ssub.s32 $0x0, s20;
	[sflag:s22] =	ssyncset.done $0x0  }
0xa0: {  	[sflag:s22] =	ssyncadd.s32 s4;
	_ =	sdelay $0x1  }
0xa1: {  	s23 =	simm.s32 $0x1B8B  }
0xa2: {  	_ =	swait.ge [sflag:s23], $0x1  }
0xa3: {  	[sflag:s23] =	ssyncset.done $0x0  }
0xa4: {  	s25 =	simm.s32 $0x1B8E;
	s24 =	sld [smem:$0x3FFE];
	[sflag:s23] =	ssyncadd.s32 $0xFFFFFFFF  }
0xa5: {  	s26 =	simm.s32 $execute0_lowered;
	[smem:$0x3FD2] =	sst s25  }
0xa6: {  	s5 =	sshll.u32 s26, $0x1;
	_ =	strace $0x80000046;
	[dreg:$0x1] =	wrdreg $0xFFFFFFFF  }
0xa7: {  	s28 =	simm.s32 $_size_execute0_lowered;
	s3 =	sadd.s32 s3, s5;
	[dreg:$0x0] =	wrdreg $0x0  }
0xa8: {  	s5 =	sshll.u32 s28, $0x1;
	[dreg:$0x2] =	wrdreg s3  }
0xa9: {  	[dreg:$0x3] =	wrdreg s5  }
0xaa: {  	[dreg:$0x4] =	wrdreg $0xC0  }
0xab: {  	_ =	task [dreg:s7], $0x5FFFF  }
0xac: {  	[dreg:$0x1] =	wrdreg $0xFFFFFFFF  }
0xad: {  	[dreg:$0x0] =	wrdreg $0x60  }
0xae: {  	[dreg:$0x2] =	wrdreg s24  }
0xaf: {  	[dreg:$0x3] =	wrdreg s2  }
0xb0: {  	[dreg:$0x4] =	wrdreg $0x9  }
0xb1: {  	_ =	task.clear_ibuf [dreg:s7], $0x5FFFF;
	_ =	strace $0x90000046  }
0xb2: {  	s29 =	simm.s32 $0x9;
	_ =	strace $0x80000048  }
0xb3: {  	_ =	swait.ge [sflag:s29], $0x1  }
0xb4: {  	[sflag:s29] =	ssyncadd.s32 $0xFFFFFFFF  }
0xb5: {  	_ =	strace $0x90000048  }
0xb6: {  	_ =	sfence  }
0xb7: {  	s30 =	sld [smem:$0x0];
	_ =	sdelay $0x2  }
0xb8: {  	s31 =	sshll.u32 s1, $0xD;
	s1 =	sshrl.u32 s1, $0x2  }
0xb9: {  	s3 =	sand.u32 $0x4000, s31;
	s1 =	sadd.s32 s1, s30  }
0xba: {  	s0 =	sor.u32 s3, s0;
	s1 =	sshll.u32 s1, $0x11  }
0xbb: {  	s0 =	sor.u32 s1, s0  }
0xbc: {  	s0 =	sadd.s32 $0x8F2B, s0  }
0xbd: {  	[sflag:s0] =	ssyncadd.remote.s32 $0x1  }
0xbe: {  	_ =	sfence.sel $0xFFFF  }
0xbf: {  	[dreg:$0x0] =	wrdreg $0xFFFFFFFF;
	(pc) =	sbr.abs _section_cstart, $3  }
0xc0: {  	[dreg:$0x1] =	wrdreg $0xFFFFFFFF  }
0xc1: {  	_ =	task.clear_ibuf [dreg:s7], $0x2FFFF;
	_ =	strace $0x9FFFFFFF  }
0xc2: {  	(tm) =	ssettm $0x7FFFFFFF  }
0xc3: {  	_ =	shalt  }
tec
execute0_lowered:
.L_overlay_start_1:
0x0: {  	(tag) =	ssettag $0x1  }
0x1: {  	s4 =	rddreg [dreg:$0x0]  }
0x2: {  	s5 =	rddreg [dreg:$0x1]  }
0x3: {  	s0 =	rddreg [dreg:$0x2];
	s3 =	srdreg.scid  }
0x4: {  	s2 =	simm.s32 $0x0;
	s1 =	stileid.u32;
	s10 =	simm.s32 $0x3  }
0x5: {  	s11 =	simm.s32 $0x200;
	s12 =	simm.s32 $0x400;
	s13 =	simm.s32 $0x1  }
0x6: {  	s14 =	simm.s32 $0x4400;
	s15 =	simm.s32 $0x2;
	s16 =	simm.s32 $0x180  }
0x7: {  	s17 =	simm.s32 $0x280;
	s18 =	simm.s32 $0x300;
	s19 =	simm.s32 $0x380  }
0x8: {  	s20 =	simm.s32 $0x8400;
	s21 =	simm.s32 $0x0;
	s6 =	sand.u32 $0x1, s3  }
0x9: {  	[smem:$0x7FF] =	sst s2;
	s7 =	sshll.u32 s1, $0xA;
	s8 =	sshll.u32 s6, $0x9  }
0xa: {  	s3 =	sadd.s32 $0x186E00, s4;
	s6 =	ssub.s32 $0x2, s6;
	s7 =	sor.u32 s8, s7  }
0xb: {  	_ =	strace $0x80000047;
	s9 =	sshrl.u32 s6, $0x1;
	s8 =	sshll.u32 s7, $0x4  }
0xc: {  	s7 =	sshrl.u32 s7, $0x2;
	s31 =	ssub.s32 s6, s9;
	s9 =	simm.s32 $0x100  }
0xd: {  	s8 =	sadd.s32 s8, s4;
	s4 =	sadd.s32 s5, s7;
	s7 =	smax.u32 s31, $0x1  }
0xe: {  	s5 =	sadd.s32 $0x10, s4;
	s6 =	sadd.s32 $0x400, s8;
	s8 =	simm.s32 $0x80  }
.LBB2_1:
0xf: {  	[tilespmem:s2], [sflag:$0x3] =	stream.strided.gather [hbm4b:s4+s8], $0x200, s9, s8, $0x38;
	[tilespmem:$0x18400] =	vst v63  }
0x10: {  	_ =	swait.ge [sflag:s10], $0x200  }
0x11: {  	[sflag:s10] =	ssyncset.done $0x0  }
0x12: {  	[sflag:s10] =	ssyncadd.s32 $0xFFFFFE00  }
0x13: {  	[tilespmem:s11], [sflag:$0x3] =	stream.strided.gather [hbm4b:s5+s8], $0x200, s9, s8, $0x38;
	[tilespmem:$0x18400] =	vst v63  }
0x14: {  	_ =	swait.ge [sflag:s10], $0x200  }
0x15: {  	[sflag:s10] =	ssyncset.done $0x0  }
0x16: {  	[sflag:s10] =	ssyncadd.s32 $0xFFFFFE00  }
0x17: {  	[tilespmem:s12], [sflag:$0x1] =	stream.indirect.gather [hbm4b:s3+s8], $0x80, s2, s8, $0xb8;
	[tilespmem:$0x18400] =	vst v63  }
0x18: {  	_ =	swait.ge [sflag:s13], $0x4000  }
0x19: {  	[sflag:s13] =	ssyncset.done $0x0  }
0x1a: {  	s24 =	simm.s32 $0x600;
	[sflag:s13] =	ssyncadd.s32 $0xFFFFC000  }
0x1b: {  	[tilespmem:s14], [sflag:$0x2] =	stream.indirect.gather [hbm4b:s3+s8], $0x80, s8, s8, $0xb8;
	[tilespmem:$0x18400] =	vst v63  }
0x1c: {  	v0 =	vld [tilespmem:s24+$0x180]  }
0x1d: {  	v1 =	vld [tilespmem:s24+$0xFFFFFE80]  }
0x1e: {  	v2 =	vld [tilespmem:s24+$0xFFFFFF00]  }
0x1f: {  	v3 =	vld [tilespmem:s24+$0xFFFFFF80]  }
0x20: {  	s22 =	simm.s32 $0x8600;
	v4 =	vld [tilespmem:s24+$0x0]  }
0x21: {  	v5 =	vld [tilespmem:s24+$0x80];
	[tilespmem:s22+$0x180] =	vst v0  }
0x22: {  	v6 =	vld [tilespmem:s24+$0xFFFFFE00];
	[tilespmem:s22+$0xFFFFFE80] =	vst v1  }
0x23: {  	[tilespmem:s22+$0xFFFFFF00] =	vst v2;
	v1 =	vld [tilespmem:s24+$0x190]  }
0x24: {  	v2 =	vld [tilespmem:s24+$0x100];
	[tilespmem:s22+$0xFFFFFF80] =	vst v3  }
0x25: {  	[tilespmem:s22+$0x0] =	vst v4;
	v7 =	vld [tilespmem:s24+$0xFFFFFE90]  }
0x26: {  	[tilespmem:s22+$0x80] =	vst v5;
	v4 =	vld [tilespmem:s24+$0xFFFFFF10]  }
0x27: {  	[tilespmem:s22+$0xFFFFFE00] =	vst v6;
	v0 =	vld [tilespmem:s24+$0xFFFFFF90]  }
0x28: {  	[tilespmem:s22+$0x190] =	vst v1;
	v1 =	vld [tilespmem:s24+$0x10]  }
0x29: {  	v3 =	vld [tilespmem:s24+$0x90];
	[tilespmem:s22+$0x100] =	vst v2  }
0x2a: {  	v2 =	vld [tilespmem:s24+$0xFFFFFE10];
	[tilespmem:s22+$0xFFFFFE90] =	vst v7  }
0x2b: {  	s23 =	simm.s32 $0x0;
	[tilespmem:s22+$0xFFFFFF10] =	vst v4;
	v4 =	vld [tilespmem:s24+$0x110];
	s24 =	simm.s32 $0xA00  }
.LBB2_2:
0x2c: {  	v5 =	vld [tilespmem:s24+$0x180];
	s23 =	sadd.s32 $0x8, s23;
	[tilespmem:s22+$0xFFFFFF90] =	vst v0  }
0x2d: {  	v0 =	vld [tilespmem:s24+$0xFFFFFE80];
	p0 =	slt.u32 s23, $0x78;
	[tilespmem:s22+$0x10] =	vst v1  }
0x2e: {  	v1 =	vld [tilespmem:s24+$0xFFFFFF00];
	[tilespmem:s22+$0x90] =	vst v3  }
0x2f: {  	v3 =	vld [tilespmem:s24+$0xFFFFFF80];
	[tilespmem:s22+$0xFFFFFE10] =	vst v2  }
0x30: {  	v2 =	vld [tilespmem:s24+$0x0];
	[tilespmem:s22+$0x110] =	vst v4;
	s22 =	sadd.s32 $0x400, s22  }
0x31: {  	v4 =	vld [tilespmem:s24+$0x80];
	[tilespmem:s22+$0x180] =	vst v5  }
0x32: {  	[tilespmem:s22+$0xFFFFFE80] =	vst v0;
	v5 =	vld [tilespmem:s24+$0x190]  }
0x33: {  	[tilespmem:s22+$0xFFFFFF00] =	vst v1;
	v6 =	vld [tilespmem:s24+$0x100]  }
0x34: {  	v7 =	vld [tilespmem:s24+$0xFFFFFE00];
	[tilespmem:s22+$0xFFFFFF80] =	vst v3  }
0x35: {  	v8 =	vld [tilespmem:s24+$0xFFFFFE90];
	[tilespmem:s22+$0x0] =	vst v2  }
0x36: {  	v9 =	vld [tilespmem:s24+$0xFFFFFF10];
	[tilespmem:s22+$0x80] =	vst v4  }
.Ltmp0:
0x37: {  	v0 =	vld [tilespmem:s24+$0xFFFFFF90];
	[tilespmem:s22+$0x190] =	vst v5;
	(pc) =	sbr.rel @p0 .LBB2_2-.Ltmp0, $4  }
0x38: {  	v1 =	vld [tilespmem:s24+$0x10];
	[tilespmem:s22+$0x100] =	vst v6  }
0x39: {  	[tilespmem:s22+$0xFFFFFE00] =	vst v7;
	v3 =	vld [tilespmem:s24+$0x90]  }
0x3a: {  	v2 =	vld [tilespmem:s24+$0xFFFFFE10];
	[tilespmem:s22+$0xFFFFFE90] =	vst v8  }
0x3b: {  	[tilespmem:s22+$0xFFFFFF10] =	vst v9;
	v4 =	vld [tilespmem:s24+$0x110];
	s24 =	sadd.s32 $0x400, s24  }
0x3c: {  	[tilespmem:s22+$0xFFFFFF90] =	vst v0  }
0x3d: {  	[tilespmem:s22+$0x10] =	vst v1  }
0x3e: {  	[tilespmem:s22+$0x90] =	vst v3  }
0x3f: {  	[tilespmem:s22+$0xFFFFFE10] =	vst v2  }
0x40: {  	[tilespmem:s22+$0x110] =	vst v4  }
0x41: {  	_ =	swait.ge [sflag:s15], $0x4000  }
0x42: {  	[sflag:s15] =	ssyncset.done $0x0  }
0x43: {  	s22 =	simm.s32 $0x0;
	[sflag:s15] =	ssyncadd.s32 $0xFFFFC000  }
0x44: {  	[tilespmem:s12], [sflag:$0x1] =	stream.indirect.gather [hbm4b:s3+s8], $0x80, s9, s8, $0xb8;
	[tilespmem:$0x18400] =	vst v63  }
0x45: {  	v0 =	vld [tilespmem:s22+$0x4790]  }
0x46: {  	v1 =	vld [tilespmem:s22+$0x4400]  }
0x47: {  	v2 =	vld [tilespmem:s22+$0x4410]  }
0x48: {  	v3 =	vld [tilespmem:s22+$0x4480]  }
0x49: {  	v4 =	vld [tilespmem:s22+$0x4490]  }
0x4a: {  	v5 =	vld [tilespmem:s22+$0x4500];
	[tilespmem:s22+$0xC790] =	vst v0  }
0x4b: {  	[tilespmem:s22+$0xC400] =	vst v1;
	v0 =	vld [tilespmem:s22+$0x4510]  }
0x4c: {  	[tilespmem:s22+$0xC410] =	vst v2;
	v1 =	vld [tilespmem:s22+$0x4580]  }
0x4d: {  	[tilespmem:s22+$0xC480] =	vst v3;
	v3 =	vld [tilespmem:s22+$0x4590]  }
0x4e: {  	[tilespmem:s22+$0xC490] =	vst v4;
	v4 =	vld [tilespmem:s22+$0x4600]  }
0x4f: {  	[tilespmem:s22+$0xC500] =	vst v5;
	v2 =	vld [tilespmem:s22+$0x4610]  }
0x50: {  	[tilespmem:s22+$0xC510] =	vst v0;
	v0 =	vld [tilespmem:s22+$0x4680]  }
0x51: {  	[tilespmem:s22+$0xC580] =	vst v1;
	v1 =	vld [tilespmem:s22+$0x4690]  }
0x52: {  	[tilespmem:s22+$0xC590] =	vst v3;
	v3 =	vld [tilespmem:s22+$0x4700]  }
0x53: {  	s23 =	simm.s32 $0x0;
	s24 =	simm.s32 $0x1000;
	[tilespmem:s22+$0xC600] =	vst v4;
	v4 =	vld [tilespmem:s22+$0x4710]  }
.LBB2_4:
0x54: {  	s25 =	sshra.s32 s24, $0x2;
	s23 =	sadd.s32 $0x8, s23;
	[tilespmem:s22+$0xC610] =	vst v2;
	v2 =	vld [tilespmem:s22+$0x4780]  }
0x55: {  	v5 =	vld [tilespmem:s25+$0x4790];
	p0 =	slt.u32 s23, $0x78;
	[tilespmem:s22+$0xC680] =	vst v0  }
0x56: {  	v0 =	vld [tilespmem:s25+$0x4400];
	[tilespmem:s22+$0xC690] =	vst v1  }
0x57: {  	v1 =	vld [tilespmem:s25+$0x4410];
	[tilespmem:s22+$0xC700] =	vst v3  }
0x58: {  	v3 =	vld [tilespmem:s25+$0x4480];
	[tilespmem:s22+$0xC710] =	vst v4  }
0x59: {  	v4 =	vld [tilespmem:s25+$0x4490];
	[tilespmem:s22+$0xC780] =	vst v2;
	s22 =	smov.u32 s25  }
0x5a: {  	v2 =	vld [tilespmem:s22+$0x4500];
	[tilespmem:s22+$0xC790] =	vst v5  }
0x5b: {  	[tilespmem:s22+$0xC400] =	vst v0;
	v0 =	vld [tilespmem:s22+$0x4510]  }
0x5c: {  	[tilespmem:s22+$0xC410] =	vst v1;
	v1 =	vld [tilespmem:s22+$0x4580]  }
0x5d: {  	[tilespmem:s22+$0xC480] =	vst v3;
	v3 =	vld [tilespmem:s22+$0x4590]  }
0x5e: {  	[tilespmem:s22+$0xC490] =	vst v4;
	v4 =	vld [tilespmem:s22+$0x4600]  }
.Ltmp1:
0x5f: {  	[tilespmem:s22+$0xC500] =	vst v2;
	v2 =	vld [tilespmem:s22+$0x4610];
	(pc) =	sbr.rel @p0 .LBB2_4-.Ltmp1, $4  }
0x60: {  	[tilespmem:s22+$0xC510] =	vst v0;
	v0 =	vld [tilespmem:s22+$0x4680]  }
0x61: {  	[tilespmem:s22+$0xC580] =	vst v1;
	v1 =	vld [tilespmem:s22+$0x4690]  }
0x62: {  	[tilespmem:s22+$0xC590] =	vst v3;
	v3 =	vld [tilespmem:s22+$0x4700]  }
0x63: {  	s24 =	sadd.s32 $0x1000, s24;
	[tilespmem:s22+$0xC600] =	vst v4;
	v4 =	vld [tilespmem:s22+$0x4710]  }
0x64: {  	[tilespmem:s22+$0xC610] =	vst v2;
	v2 =	vld [tilespmem:s22+$0x4780]  }
0x65: {  	[tilespmem:s22+$0xC680] =	vst v0  }
0x66: {  	[tilespmem:s22+$0xC690] =	vst v1  }
0x67: {  	[tilespmem:s22+$0xC700] =	vst v3  }
0x68: {  	[tilespmem:s22+$0xC710] =	vst v4  }
0x69: {  	[tilespmem:s22+$0xC780] =	vst v2  }
0x6a: {  	_ =	swait.ge [sflag:s13], $0x4000  }
0x6b: {  	[sflag:s13] =	ssyncset.done $0x0  }
0x6c: {  	s22 =	simm.s32 $0x0;
	[sflag:s13] =	ssyncadd.s32 $0xFFFFC000  }
0x6d: {  	[tilespmem:s14], [sflag:$0x2] =	stream.indirect.gather [hbm4b:s3+s8], $0x80, s16, s8, $0xb8;
	[tilespmem:$0x18400] =	vst v63  }
0x6e: {  	v0 =	vld [tilespmem:s22+$0x790]  }
0x6f: {  	v1 =	vld [tilespmem:s22+$0x400]  }
0x70: {  	v2 =	vld [tilespmem:s22+$0x410]  }
0x71: {  	v3 =	vld [tilespmem:s22+$0x480]  }
0x72: {  	v4 =	vld [tilespmem:s22+$0x490]  }
0x73: {  	v5 =	vld [tilespmem:s22+$0x500];
	[tilespmem:s22+$0x10790] =	vst v0  }
0x74: {  	[tilespmem:s22+$0x10400] =	vst v1;
	v0 =	vld [tilespmem:s22+$0x510]  }
0x75: {  	[tilespmem:s22+$0x10410] =	vst v2;
	v1 =	vld [tilespmem:s22+$0x580]  }
0x76: {  	[tilespmem:s22+$0x10480] =	vst v3;
	v3 =	vld [tilespmem:s22+$0x590]  }
0x77: {  	[tilespmem:s22+$0x10490] =	vst v4;
	v4 =	vld [tilespmem:s22+$0x600]  }
0x78: {  	[tilespmem:s22+$0x10500] =	vst v5;
	v2 =	vld [tilespmem:s22+$0x610]  }
0x79: {  	[tilespmem:s22+$0x10510] =	vst v0;
	v0 =	vld [tilespmem:s22+$0x680]  }
0x7a: {  	[tilespmem:s22+$0x10580] =	vst v1;
	v1 =	vld [tilespmem:s22+$0x690]  }
0x7b: {  	[tilespmem:s22+$0x10590] =	vst v3;
	v3 =	vld [tilespmem:s22+$0x700]  }
0x7c: {  	s23 =	simm.s32 $0x0;
	s24 =	simm.s32 $0x1000;
	[tilespmem:s22+$0x10600] =	vst v4;
	v4 =	vld [tilespmem:s22+$0x710]  }
.LBB2_6:
0x7d: {  	s25 =	sshra.s32 s24, $0x2;
	s23 =	sadd.s32 $0x8, s23;
	[tilespmem:s22+$0x10610] =	vst v2;
	v2 =	vld [tilespmem:s22+$0x780]  }
0x7e: {  	v5 =	vld [tilespmem:s25+$0x790];
	p0 =	slt.u32 s23, $0x78;
	[tilespmem:s22+$0x10680] =	vst v0  }
0x7f: {  	v0 =	vld [tilespmem:s25+$0x400];
	[tilespmem:s22+$0x10690] =	vst v1  }
0x80: {  	v1 =	vld [tilespmem:s25+$0x410];
	[tilespmem:s22+$0x10700] =	vst v3  }
0x81: {  	v3 =	vld [tilespmem:s25+$0x480];
	[tilespmem:s22+$0x10710] =	vst v4  }
0x82: {  	v4 =	vld [tilespmem:s25+$0x490];
	[tilespmem:s22+$0x10780] =	vst v2;
	s22 =	smov.u32 s25  }
0x83: {  	v2 =	vld [tilespmem:s22+$0x500];
	[tilespmem:s22+$0x10790] =	vst v5  }
0x84: {  	[tilespmem:s22+$0x10400] =	vst v0;
	v0 =	vld [tilespmem:s22+$0x510]  }
0x85: {  	[tilespmem:s22+$0x10410] =	vst v1;
	v1 =	vld [tilespmem:s22+$0x580]  }
0x86: {  	[tilespmem:s22+$0x10480] =	vst v3;
	v3 =	vld [tilespmem:s22+$0x590]  }
0x87: {  	[tilespmem:s22+$0x10490] =	vst v4;
	v4 =	vld [tilespmem:s22+$0x600]  }
.Ltmp2:
0x88: {  	[tilespmem:s22+$0x10500] =	vst v2;
	v2 =	vld [tilespmem:s22+$0x610];
	(pc) =	sbr.rel @p0 .LBB2_6-.Ltmp2, $4  }
0x89: {  	[tilespmem:s22+$0x10510] =	vst v0;
	v0 =	vld [tilespmem:s22+$0x680]  }
0x8a: {  	[tilespmem:s22+$0x10580] =	vst v1;
	v1 =	vld [tilespmem:s22+$0x690]  }
0x8b: {  	[tilespmem:s22+$0x10590] =	vst v3;
	v3 =	vld [tilespmem:s22+$0x700]  }
0x8c: {  	s24 =	sadd.s32 $0x1000, s24;
	[tilespmem:s22+$0x10600] =	vst v4;
	v4 =	vld [tilespmem:s22+$0x710]  }
0x8d: {  	[tilespmem:s22+$0x10610] =	vst v2;
	v2 =	vld [tilespmem:s22+$0x780]  }
0x8e: {  	[tilespmem:s22+$0x10680] =	vst v0  }
0x8f: {  	[tilespmem:s22+$0x10690] =	vst v1  }
0x90: {  	[tilespmem:s22+$0x10700] =	vst v3  }
0x91: {  	[tilespmem:s22+$0x10710] =	vst v4  }
0x92: {  	[tilespmem:s22+$0x10780] =	vst v2  }
0x93: {  	_ =	swait.ge [sflag:s15], $0x4000  }
0x94: {  	[sflag:s15] =	ssyncset.done $0x0  }
0x95: {  	s22 =	simm.s32 $0x0;
	[sflag:s15] =	ssyncadd.s32 $0xFFFFC000  }
0x96: {  	[tilespmem:s12], [sflag:$0x1] =	stream.indirect.gather [hbm4b:s3+s8], $0x80, s11, s8, $0xb8;
	[tilespmem:$0x18400] =	vst v63  }
0x97: {  	v0 =	vld [tilespmem:s22+$0x4790]  }
0x98: {  	v1 =	vld [tilespmem:s22+$0x4400]  }
0x99: {  	v2 =	vld [tilespmem:s22+$0x4410]  }
0x9a: {  	v3 =	vld [tilespmem:s22+$0x4480]  }
0x9b: {  	v4 =	vld [tilespmem:s22+$0x4490]  }
0x9c: {  	v5 =	vld [tilespmem:s22+$0x4500];
	[tilespmem:s22+$0x14790] =	vst v0  }
0x9d: {  	[tilespmem:s22+$0x14400] =	vst v1;
	v0 =	vld [tilespmem:s22+$0x4510]  }
0x9e: {  	[tilespmem:s22+$0x14410] =	vst v2;
	v1 =	vld [tilespmem:s22+$0x4580]  }
0x9f: {  	[tilespmem:s22+$0x14480] =	vst v3;
	v3 =	vld [tilespmem:s22+$0x4590]  }
0xa0: {  	[tilespmem:s22+$0x14490] =	vst v4;
	v4 =	vld [tilespmem:s22+$0x4600]  }
0xa1: {  	[tilespmem:s22+$0x14500] =	vst v5;
	v2 =	vld [tilespmem:s22+$0x4610]  }
0xa2: {  	[tilespmem:s22+$0x14510] =	vst v0;
	v0 =	vld [tilespmem:s22+$0x4680]  }
0xa3: {  	[tilespmem:s22+$0x14580] =	vst v1;
	v1 =	vld [tilespmem:s22+$0x4690]  }
0xa4: {  	[tilespmem:s22+$0x14590] =	vst v3;
	v3 =	vld [tilespmem:s22+$0x4700]  }
0xa5: {  	s23 =	simm.s32 $0x0;
	s24 =	simm.s32 $0x1000;
	[tilespmem:s22+$0x14600] =	vst v4;
	v4 =	vld [tilespmem:s22+$0x4710]  }
.LBB2_8:
0xa6: {  	s25 =	sshra.s32 s24, $0x2;
	s23 =	sadd.s32 $0x8, s23;
	[tilespmem:s22+$0x14610] =	vst v2;
	v2 =	vld [tilespmem:s22+$0x4780]  }
0xa7: {  	v5 =	vld [tilespmem:s25+$0x4790];
	p0 =	slt.u32 s23, $0x78;
	[tilespmem:s22+$0x14680] =	vst v0  }
0xa8: {  	v0 =	vld [tilespmem:s25+$0x4400];
	[tilespmem:s22+$0x14690] =	vst v1  }
0xa9: {  	v1 =	vld [tilespmem:s25+$0x4410];
	[tilespmem:s22+$0x14700] =	vst v3  }
0xaa: {  	v3 =	vld [tilespmem:s25+$0x4480];
	[tilespmem:s22+$0x14710] =	vst v4  }
0xab: {  	v4 =	vld [tilespmem:s25+$0x4490];
	[tilespmem:s22+$0x14780] =	vst v2;
	s22 =	smov.u32 s25  }
0xac: {  	v2 =	vld [tilespmem:s22+$0x4500];
	[tilespmem:s22+$0x14790] =	vst v5  }
0xad: {  	[tilespmem:s22+$0x14400] =	vst v0;
	v0 =	vld [tilespmem:s22+$0x4510]  }
0xae: {  	[tilespmem:s22+$0x14410] =	vst v1;
	v1 =	vld [tilespmem:s22+$0x4580]  }
0xaf: {  	[tilespmem:s22+$0x14480] =	vst v3;
	v3 =	vld [tilespmem:s22+$0x4590]  }
0xb0: {  	[tilespmem:s22+$0x14490] =	vst v4;
	v4 =	vld [tilespmem:s22+$0x4600]  }
.Ltmp3:
0xb1: {  	[tilespmem:s22+$0x14500] =	vst v2;
	v2 =	vld [tilespmem:s22+$0x4610];
	(pc) =	sbr.rel @p0 .LBB2_8-.Ltmp3, $4  }
0xb2: {  	[tilespmem:s22+$0x14510] =	vst v0;
	v0 =	vld [tilespmem:s22+$0x4680]  }
0xb3: {  	[tilespmem:s22+$0x14580] =	vst v1;
	v1 =	vld [tilespmem:s22+$0x4690]  }
0xb4: {  	[tilespmem:s22+$0x14590] =	vst v3;
	v3 =	vld [tilespmem:s22+$0x4700]  }
0xb5: {  	s24 =	sadd.s32 $0x1000, s24;
	[tilespmem:s22+$0x14600] =	vst v4;
	v4 =	vld [tilespmem:s22+$0x4710]  }
0xb6: {  	[tilespmem:s22+$0x14610] =	vst v2;
	v2 =	vld [tilespmem:s22+$0x4780]  }
0xb7: {  	[tilespmem:s22+$0x14680] =	vst v0  }
0xb8: {  	[tilespmem:s22+$0x14690] =	vst v1  }
0xb9: {  	[tilespmem:s22+$0x14700] =	vst v3  }
0xba: {  	[tilespmem:s22+$0x14710] =	vst v4  }
0xbb: {  	[tilespmem:s22+$0x14780] =	vst v2  }
0xbc: {  	_ =	swait.ge [sflag:s13], $0x4000  }
0xbd: {  	[sflag:s13] =	ssyncset.done $0x0  }
0xbe: {  	s24 =	simm.s32 $0x600;
	[sflag:s13] =	ssyncadd.s32 $0xFFFFC000  }
0xbf: {  	[tilespmem:s14], [sflag:$0x2] =	stream.indirect.gather [hbm4b:s3+s8], $0x80, s17, s8, $0xb8;
	[tilespmem:$0x18400] =	vst v63  }
0xc0: {  	v0 =	vld [tilespmem:s24+$0x180]  }
0xc1: {  	v1 =	vld [tilespmem:s24+$0xFFFFFE80]  }
0xc2: {  	v2 =	vld [tilespmem:s24+$0xFFFFFF00]  }
0xc3: {  	v3 =	vld [tilespmem:s24+$0xFFFFFF80]  }
0xc4: {  	s22 =	simm.s32 $0x8620;
	v4 =	vld [tilespmem:s24+$0x0]  }
0xc5: {  	v5 =	vld [tilespmem:s24+$0x80];
	[tilespmem:s22+$0x180] =	vst v0  }
0xc6: {  	v6 =	vld [tilespmem:s24+$0xFFFFFE00];
	[tilespmem:s22+$0xFFFFFE80] =	vst v1  }
0xc7: {  	[tilespmem:s22+$0xFFFFFF00] =	vst v2;
	v1 =	vld [tilespmem:s24+$0x190]  }
0xc8: {  	v2 =	vld [tilespmem:s24+$0x100];
	[tilespmem:s22+$0xFFFFFF80] =	vst v3  }
0xc9: {  	[tilespmem:s22+$0x0] =	vst v4;
	v7 =	vld [tilespmem:s24+$0xFFFFFE90]  }
0xca: {  	[tilespmem:s22+$0x80] =	vst v5;
	v4 =	vld [tilespmem:s24+$0xFFFFFF10]  }
0xcb: {  	[tilespmem:s22+$0xFFFFFE00] =	vst v6;
	v0 =	vld [tilespmem:s24+$0xFFFFFF90]  }
0xcc: {  	[tilespmem:s22+$0x190] =	vst v1;
	v1 =	vld [tilespmem:s24+$0x10]  }
0xcd: {  	v3 =	vld [tilespmem:s24+$0x90];
	[tilespmem:s22+$0x100] =	vst v2  }
0xce: {  	v2 =	vld [tilespmem:s24+$0xFFFFFE10];
	[tilespmem:s22+$0xFFFFFE90] =	vst v7  }
0xcf: {  	s23 =	simm.s32 $0x0;
	[tilespmem:s22+$0xFFFFFF10] =	vst v4;
	v4 =	vld [tilespmem:s24+$0x110];
	s24 =	simm.s32 $0xA00  }
.LBB2_10:
0xd0: {  	v5 =	vld [tilespmem:s24+$0x180];
	s23 =	sadd.s32 $0x8, s23;
	[tilespmem:s22+$0xFFFFFF90] =	vst v0  }
0xd1: {  	v0 =	vld [tilespmem:s24+$0xFFFFFE80];
	p0 =	slt.u32 s23, $0x78;
	[tilespmem:s22+$0x10] =	vst v1  }
0xd2: {  	v1 =	vld [tilespmem:s24+$0xFFFFFF00];
	[tilespmem:s22+$0x90] =	vst v3  }
0xd3: {  	v3 =	vld [tilespmem:s24+$0xFFFFFF80];
	[tilespmem:s22+$0xFFFFFE10] =	vst v2  }
0xd4: {  	v2 =	vld [tilespmem:s24+$0x0];
	[tilespmem:s22+$0x110] =	vst v4;
	s22 =	sadd.s32 $0x400, s22  }
0xd5: {  	v4 =	vld [tilespmem:s24+$0x80];
	[tilespmem:s22+$0x180] =	vst v5  }
0xd6: {  	[tilespmem:s22+$0xFFFFFE80] =	vst v0;
	v5 =	vld [tilespmem:s24+$0x190]  }
0xd7: {  	[tilespmem:s22+$0xFFFFFF00] =	vst v1;
	v6 =	vld [tilespmem:s24+$0x100]  }
0xd8: {  	v7 =	vld [tilespmem:s24+$0xFFFFFE00];
	[tilespmem:s22+$0xFFFFFF80] =	vst v3  }
0xd9: {  	v8 =	vld [tilespmem:s24+$0xFFFFFE90];
	[tilespmem:s22+$0x0] =	vst v2  }
0xda: {  	v9 =	vld [tilespmem:s24+$0xFFFFFF10];
	[tilespmem:s22+$0x80] =	vst v4  }
.Ltmp4:
0xdb: {  	v0 =	vld [tilespmem:s24+$0xFFFFFF90];
	[tilespmem:s22+$0x190] =	vst v5;
	(pc) =	sbr.rel @p0 .LBB2_10-.Ltmp4, $4  }
0xdc: {  	v1 =	vld [tilespmem:s24+$0x10];
	[tilespmem:s22+$0x100] =	vst v6  }
0xdd: {  	[tilespmem:s22+$0xFFFFFE00] =	vst v7;
	v3 =	vld [tilespmem:s24+$0x90]  }
0xde: {  	v2 =	vld [tilespmem:s24+$0xFFFFFE10];
	[tilespmem:s22+$0xFFFFFE90] =	vst v8  }
0xdf: {  	[tilespmem:s22+$0xFFFFFF10] =	vst v9;
	v4 =	vld [tilespmem:s24+$0x110];
	s24 =	sadd.s32 $0x400, s24  }
0xe0: {  	[tilespmem:s22+$0xFFFFFF90] =	vst v0  }
0xe1: {  	[tilespmem:s22+$0x10] =	vst v1  }
0xe2: {  	[tilespmem:s22+$0x90] =	vst v3  }
0xe3: {  	[tilespmem:s22+$0xFFFFFE10] =	vst v2  }
0xe4: {  	[tilespmem:s22+$0x110] =	vst v4  }
0xe5: {  	_ =	swait.ge [sflag:s15], $0x4000  }
0xe6: {  	[sflag:s15] =	ssyncset.done $0x0  }
0xe7: {  	s22 =	simm.s32 $0x0;
	[sflag:s15] =	ssyncadd.s32 $0xFFFFC000  }
0xe8: {  	[tilespmem:s12], [sflag:$0x1] =	stream.indirect.gather [hbm4b:s3+s8], $0x80, s18, s8, $0xb8;
	[tilespmem:$0x18400] =	vst v63  }
0xe9: {  	v0 =	vld [tilespmem:s22+$0x4790]  }
0xea: {  	v1 =	vld [tilespmem:s22+$0x4400]  }
0xeb: {  	v2 =	vld [tilespmem:s22+$0x4410]  }
0xec: {  	v3 =	vld [tilespmem:s22+$0x4480]  }
0xed: {  	v4 =	vld [tilespmem:s22+$0x4490]  }
0xee: {  	v5 =	vld [tilespmem:s22+$0x4500];
	[tilespmem:s22+$0xC7B0] =	vst v0  }
0xef: {  	[tilespmem:s22+$0xC420] =	vst v1;
	v0 =	vld [tilespmem:s22+$0x4510]  }
0xf0: {  	[tilespmem:s22+$0xC430] =	vst v2;
	v1 =	vld [tilespmem:s22+$0x4580]  }
0xf1: {  	[tilespmem:s22+$0xC4A0] =	vst v3;
	v3 =	vld [tilespmem:s22+$0x4590]  }
0xf2: {  	[tilespmem:s22+$0xC4B0] =	vst v4;
	v4 =	vld [tilespmem:s22+$0x4600]  }
0xf3: {  	[tilespmem:s22+$0xC520] =	vst v5;
	v2 =	vld [tilespmem:s22+$0x4610]  }
0xf4: {  	[tilespmem:s22+$0xC530] =	vst v0;
	v0 =	vld [tilespmem:s22+$0x4680]  }
0xf5: {  	[tilespmem:s22+$0xC5A0] =	vst v1;
	v1 =	vld [tilespmem:s22+$0x4690]  }
0xf6: {  	[tilespmem:s22+$0xC5B0] =	vst v3;
	v3 =	vld [tilespmem:s22+$0x4700]  }
0xf7: {  	s23 =	simm.s32 $0x0;
	s24 =	simm.s32 $0x1000;
	[tilespmem:s22+$0xC620] =	vst v4;
	v4 =	vld [tilespmem:s22+$0x4710]  }
.LBB2_12:
0xf8: {  	s25 =	sshra.s32 s24, $0x2;
	s23 =	sadd.s32 $0x8, s23;
	[tilespmem:s22+$0xC630] =	vst v2;
	v2 =	vld [tilespmem:s22+$0x4780]  }
0xf9: {  	v5 =	vld [tilespmem:s25+$0x4790];
	p0 =	slt.u32 s23, $0x78;
	[tilespmem:s22+$0xC6A0] =	vst v0  }
0xfa: {  	v0 =	vld [tilespmem:s25+$0x4400];
	[tilespmem:s22+$0xC6B0] =	vst v1  }
0xfb: {  	v1 =	vld [tilespmem:s25+$0x4410];
	[tilespmem:s22+$0xC720] =	vst v3  }
0xfc: {  	v3 =	vld [tilespmem:s25+$0x4480];
	[tilespmem:s22+$0xC730] =	vst v4  }
0xfd: {  	v4 =	vld [tilespmem:s25+$0x4490];
	[tilespmem:s22+$0xC7A0] =	vst v2;
	s22 =	smov.u32 s25  }
0xfe: {  	v2 =	vld [tilespmem:s22+$0x4500];
	[tilespmem:s22+$0xC7B0] =	vst v5  }
0xff: {  	[tilespmem:s22+$0xC420] =	vst v0;
	v0 =	vld [tilespmem:s22+$0x4510]  }
0x100: {  	[tilespmem:s22+$0xC430] =	vst v1;
	v1 =	vld [tilespmem:s22+$0x4580]  }
0x101: {  	[tilespmem:s22+$0xC4A0] =	vst v3;
	v3 =	vld [tilespmem:s22+$0x4590]  }
0x102: {  	[tilespmem:s22+$0xC4B0] =	vst v4;
	v4 =	vld [tilespmem:s22+$0x4600]  }
.Ltmp5:
0x103: {  	[tilespmem:s22+$0xC520] =	vst v2;
	v2 =	vld [tilespmem:s22+$0x4610];
	(pc) =	sbr.rel @p0 .LBB2_12-.Ltmp5, $4  }
0x104: {  	[tilespmem:s22+$0xC530] =	vst v0;
	v0 =	vld [tilespmem:s22+$0x4680]  }
0x105: {  	[tilespmem:s22+$0xC5A0] =	vst v1;
	v1 =	vld [tilespmem:s22+$0x4690]  }
0x106: {  	[tilespmem:s22+$0xC5B0] =	vst v3;
	v3 =	vld [tilespmem:s22+$0x4700]  }
0x107: {  	s24 =	sadd.s32 $0x1000, s24;
	[tilespmem:s22+$0xC620] =	vst v4;
	v4 =	vld [tilespmem:s22+$0x4710]  }
0x108: {  	[tilespmem:s22+$0xC630] =	vst v2;
	v2 =	vld [tilespmem:s22+$0x4780]  }
0x109: {  	[tilespmem:s22+$0xC6A0] =	vst v0  }
0x10a: {  	[tilespmem:s22+$0xC6B0] =	vst v1  }
0x10b: {  	[tilespmem:s22+$0xC720] =	vst v3  }
0x10c: {  	[tilespmem:s22+$0xC730] =	vst v4  }
0x10d: {  	[tilespmem:s22+$0xC7A0] =	vst v2  }
0x10e: {  	_ =	swait.ge [sflag:s13], $0x4000  }
0x10f: {  	[sflag:s13] =	ssyncset.done $0x0  }
0x110: {  	s22 =	simm.s32 $0x0;
	[sflag:s13] =	ssyncadd.s32 $0xFFFFC000  }
0x111: {  	[tilespmem:s14], [sflag:$0x2] =	stream.indirect.gather [hbm4b:s3+s8], $0x80, s19, s8, $0xb8;
	[tilespmem:$0x18400] =	vst v63  }
0x112: {  	v0 =	vld [tilespmem:s22+$0x790]  }
0x113: {  	v1 =	vld [tilespmem:s22+$0x400]  }
0x114: {  	v2 =	vld [tilespmem:s22+$0x410]  }
0x115: {  	v3 =	vld [tilespmem:s22+$0x480]  }
0x116: {  	v4 =	vld [tilespmem:s22+$0x490]  }
0x117: {  	v5 =	vld [tilespmem:s22+$0x500];
	[tilespmem:s22+$0x107B0] =	vst v0  }
0x118: {  	[tilespmem:s22+$0x10420] =	vst v1;
	v0 =	vld [tilespmem:s22+$0x510]  }
0x119: {  	[tilespmem:s22+$0x10430] =	vst v2;
	v1 =	vld [tilespmem:s22+$0x580]  }
0x11a: {  	[tilespmem:s22+$0x104A0] =	vst v3;
	v3 =	vld [tilespmem:s22+$0x590]  }
0x11b: {  	[tilespmem:s22+$0x104B0] =	vst v4;
	v4 =	vld [tilespmem:s22+$0x600]  }
0x11c: {  	[tilespmem:s22+$0x10520] =	vst v5;
	v2 =	vld [tilespmem:s22+$0x610]  }
0x11d: {  	[tilespmem:s22+$0x10530] =	vst v0;
	v0 =	vld [tilespmem:s22+$0x680]  }
0x11e: {  	[tilespmem:s22+$0x105A0] =	vst v1;
	v1 =	vld [tilespmem:s22+$0x690]  }
0x11f: {  	[tilespmem:s22+$0x105B0] =	vst v3;
	v3 =	vld [tilespmem:s22+$0x700]  }
0x120: {  	s23 =	simm.s32 $0x0;
	s24 =	simm.s32 $0x1000;
	[tilespmem:s22+$0x10620] =	vst v4;
	v4 =	vld [tilespmem:s22+$0x710]  }
.LBB2_14:
0x121: {  	s25 =	sshra.s32 s24, $0x2;
	s23 =	sadd.s32 $0x8, s23;
	[tilespmem:s22+$0x10630] =	vst v2;
	v2 =	vld [tilespmem:s22+$0x780]  }
0x122: {  	v5 =	vld [tilespmem:s25+$0x790];
	p0 =	slt.u32 s23, $0x78;
	[tilespmem:s22+$0x106A0] =	vst v0  }
0x123: {  	v0 =	vld [tilespmem:s25+$0x400];
	[tilespmem:s22+$0x106B0] =	vst v1  }
0x124: {  	v1 =	vld [tilespmem:s25+$0x410];
	[tilespmem:s22+$0x10720] =	vst v3  }
0x125: {  	v3 =	vld [tilespmem:s25+$0x480];
	[tilespmem:s22+$0x10730] =	vst v4  }
0x126: {  	v4 =	vld [tilespmem:s25+$0x490];
	[tilespmem:s22+$0x107A0] =	vst v2;
	s22 =	smov.u32 s25  }
0x127: {  	v2 =	vld [tilespmem:s22+$0x500];
	[tilespmem:s22+$0x107B0] =	vst v5  }
0x128: {  	[tilespmem:s22+$0x10420] =	vst v0;
	v0 =	vld [tilespmem:s22+$0x510]  }
0x129: {  	[tilespmem:s22+$0x10430] =	vst v1;
	v1 =	vld [tilespmem:s22+$0x580]  }
0x12a: {  	[tilespmem:s22+$0x104A0] =	vst v3;
	v3 =	vld [tilespmem:s22+$0x590]  }
0x12b: {  	[tilespmem:s22+$0x104B0] =	vst v4;
	v4 =	vld [tilespmem:s22+$0x600]  }
.Ltmp6:
0x12c: {  	[tilespmem:s22+$0x10520] =	vst v2;
	v2 =	vld [tilespmem:s22+$0x610];
	(pc) =	sbr.rel @p0 .LBB2_14-.Ltmp6, $4  }
0x12d: {  	[tilespmem:s22+$0x10530] =	vst v0;
	v0 =	vld [tilespmem:s22+$0x680]  }
0x12e: {  	[tilespmem:s22+$0x105A0] =	vst v1;
	v1 =	vld [tilespmem:s22+$0x690]  }
0x12f: {  	[tilespmem:s22+$0x105B0] =	vst v3;
	v3 =	vld [tilespmem:s22+$0x700]  }
0x130: {  	s24 =	sadd.s32 $0x1000, s24;
	[tilespmem:s22+$0x10620] =	vst v4;
	v4 =	vld [tilespmem:s22+$0x710]  }
0x131: {  	[tilespmem:s22+$0x10630] =	vst v2;
	v2 =	vld [tilespmem:s22+$0x780]  }
0x132: {  	[tilespmem:s22+$0x106A0] =	vst v0  }
0x133: {  	[tilespmem:s22+$0x106B0] =	vst v1  }
0x134: {  	[tilespmem:s22+$0x10720] =	vst v3  }
0x135: {  	[tilespmem:s22+$0x10730] =	vst v4  }
0x136: {  	[tilespmem:s22+$0x107A0] =	vst v2  }
0x137: {  	_ =	swait.ge [sflag:s15], $0x4000  }
0x138: {  	[sflag:s15] =	ssyncset.done $0x0  }
0x139: {  	s22 =	simm.s32 $0x0;
	[sflag:s15] =	ssyncadd.s32 $0xFFFFC000  }
0x13a: {  	v0 =	vld [tilespmem:s22+$0x4790]  }
0x13b: {  	v1 =	vld [tilespmem:s22+$0x4400]  }
0x13c: {  	v2 =	vld [tilespmem:s22+$0x4410]  }
0x13d: {  	v3 =	vld [tilespmem:s22+$0x4480]  }
0x13e: {  	v4 =	vld [tilespmem:s22+$0x4490]  }
0x13f: {  	v5 =	vld [tilespmem:s22+$0x4500];
	[tilespmem:s22+$0x147B0] =	vst v0  }
0x140: {  	[tilespmem:s22+$0x14420] =	vst v1;
	v0 =	vld [tilespmem:s22+$0x4510]  }
0x141: {  	[tilespmem:s22+$0x14430] =	vst v2;
	v1 =	vld [tilespmem:s22+$0x4580]  }
0x142: {  	[tilespmem:s22+$0x144A0] =	vst v3;
	v3 =	vld [tilespmem:s22+$0x4590]  }
0x143: {  	[tilespmem:s22+$0x144B0] =	vst v4;
	v4 =	vld [tilespmem:s22+$0x4600]  }
0x144: {  	[tilespmem:s22+$0x14520] =	vst v5;
	v2 =	vld [tilespmem:s22+$0x4610]  }
0x145: {  	[tilespmem:s22+$0x14530] =	vst v0;
	v0 =	vld [tilespmem:s22+$0x4680]  }
0x146: {  	[tilespmem:s22+$0x145A0] =	vst v1;
	v1 =	vld [tilespmem:s22+$0x4690]  }
0x147: {  	[tilespmem:s22+$0x145B0] =	vst v3;
	v3 =	vld [tilespmem:s22+$0x4700]  }
0x148: {  	s23 =	simm.s32 $0x0;
	s24 =	simm.s32 $0x1000;
	[tilespmem:s22+$0x14620] =	vst v4;
	v4 =	vld [tilespmem:s22+$0x4710]  }
.LBB2_16:
0x149: {  	s25 =	sshra.s32 s24, $0x2;
	s23 =	sadd.s32 $0x8, s23;
	[tilespmem:s22+$0x14630] =	vst v2;
	v2 =	vld [tilespmem:s22+$0x4780]  }
0x14a: {  	v5 =	vld [tilespmem:s25+$0x4790];
	p0 =	slt.u32 s23, $0x78;
	[tilespmem:s22+$0x146A0] =	vst v0  }
0x14b: {  	v0 =	vld [tilespmem:s25+$0x4400];
	[tilespmem:s22+$0x146B0] =	vst v1  }
0x14c: {  	v1 =	vld [tilespmem:s25+$0x4410];
	[tilespmem:s22+$0x14720] =	vst v3  }
0x14d: {  	v3 =	vld [tilespmem:s25+$0x4480];
	[tilespmem:s22+$0x14730] =	vst v4  }
0x14e: {  	v4 =	vld [tilespmem:s25+$0x4490];
	[tilespmem:s22+$0x147A0] =	vst v2;
	s22 =	smov.u32 s25  }
0x14f: {  	v2 =	vld [tilespmem:s22+$0x4500];
	[tilespmem:s22+$0x147B0] =	vst v5  }
0x150: {  	[tilespmem:s22+$0x14420] =	vst v0;
	v0 =	vld [tilespmem:s22+$0x4510]  }
0x151: {  	[tilespmem:s22+$0x14430] =	vst v1;
	v1 =	vld [tilespmem:s22+$0x4580]  }
0x152: {  	[tilespmem:s22+$0x144A0] =	vst v3;
	v3 =	vld [tilespmem:s22+$0x4590]  }
0x153: {  	[tilespmem:s22+$0x144B0] =	vst v4;
	v4 =	vld [tilespmem:s22+$0x4600]  }
.Ltmp7:
0x154: {  	[tilespmem:s22+$0x14520] =	vst v2;
	v2 =	vld [tilespmem:s22+$0x4610];
	(pc) =	sbr.rel @p0 .LBB2_16-.Ltmp7, $4  }
0x155: {  	[tilespmem:s22+$0x14530] =	vst v0;
	v0 =	vld [tilespmem:s22+$0x4680]  }
0x156: {  	[tilespmem:s22+$0x145A0] =	vst v1;
	v1 =	vld [tilespmem:s22+$0x4690]  }
0x157: {  	[tilespmem:s22+$0x145B0] =	vst v3;
	v3 =	vld [tilespmem:s22+$0x4700]  }
0x158: {  	s24 =	sadd.s32 $0x1000, s24;
	[tilespmem:s22+$0x14620] =	vst v4;
	v4 =	vld [tilespmem:s22+$0x4710]  }
0x159: {  	[tilespmem:s22+$0x14630] =	vst v2;
	v63 =	vld [tilespmem:s22+$0x4780]  }
0x15a: {  	[tilespmem:s22+$0x146A0] =	vst v0  }
0x15b: {  	[tilespmem:s22+$0x146B0] =	vst v1  }
0x15c: {  	s21 =	sadd.s32 $0x1, s21;
	[tilespmem:s22+$0x14720] =	vst v3  }
0x15d: {  	p0 =	sne.s32 s21, s7;
	[tilespmem:s22+$0x14730] =	vst v4  }
.Ltmp8:
0x15e: {  	[tilespmem:s22+$0x147A0] =	vst v63;
	(pc) =	sbr.rel @p0 .LBB2_1-.Ltmp8, $4  }
0x15f: {  	[hbm4b:s6+s2] =	stream.linear.scatter [tilespmem:s20], [sflag:$0x3], $0x10000, $0x38;
	[tilespmem:$0x18400] =	vst v63  }
0x160: {  	_ =	swait.ge [sflag:s10], $0x10000  }
0x161: {  	[sflag:s10] =	ssyncset.done $0x0  }
0x162: {  	[sflag:s10] =	ssyncadd.s32 $0xFFFF0000  }
0x163: {  	_ =	sfence.sel $0x180000  }
0x164: {  	[bflag:$0x0] =	sbarrier.arrive $0xFFFF  }
0x165: {  	p0 =	sne.s32 s1, $0x0;
	_ =	strace $0x90000047  }
0x166: {  	s0 =	sadd.s32 @!p0 $0x100000, s0;
	[bflag:$0x2] =	sbarrier.arrive $0xFFFF  }
0x167: {  	[sflag:s0] =	ssyncadd.tile.s32 @!p0 $0x1;
	_ =	shalt  }
.Lfunc_end2:
_tile_overlayer_lowered:
.L_overlay_start_2:
0x168: {  	(tag) =	ssettag $0x2  }
0x169: {  	s0 =	rddreg [dreg:$0x0];
	s2 =	stileid.u32  }
0x16a: {  	s1 =	rddreg [dreg:$0x1];
	p0 =	sne.s32 s2, $0x0  }
0x16b: {  	s3 =	rddreg [dreg:$0x2];
	[bflag:$0x3] =	sbarrier.arrive $0xFFFF;
	s2 =	simm.s32 @!p0 $0x1C03  }
0x16c: {  	[timem:s3], [sflag:s2] =	dma.local @!p0 [hbm:s0], s1  }
0x16d: {  	s0 =	simm.s32 @!p0 $0x3  }
0x16e: {  	_ =	swait.ge @!p0 [sflag:s0], s1  }
0x16f: {  	s1 =	ssub.s32 @!p0 $0x0, s1;
	[sflag:s0] =	ssyncset.done @!p0 $0x0  }
0x170: {  	[sflag:s0] =	ssyncadd.s32 @!p0 s1  }
0x171: {  	[bflag:$0x3] =	sbarrier.arrive $0xFFFF  }
0x172: {  	_ =	shalt  }

</sc_bundles>
